<compile_context>
chip_gen: v7x
topology: tpu7x:2x2x1
jax: 0.10.2.dev20260603
libtpu: 0.0.44.dev20260713+nightly
codegen_flags: <defaults>
</compile_context>

<pallas_src>
import functools
import math

import jax
import jax.numpy as jnp
from jax import lax
from jax.experimental import pallas as pl
from jax.experimental.pallas import tpu as pltpu
from jax.experimental.pallas import tpu_sc as plsc

NC = 2
NS = 16
L = 16
CH = 128


def _round_up(a, b):
    return (a + b - 1) // b * b


SK = 4


@functools.lru_cache(maxsize=None)
def _sc_segment_sum(npad, cpt, feat, with_count):
    fh = feat // NC
    rows_per_tile = npad // NS
    nz_full = rows_per_tile // CH
    z_rem = rows_per_tile - nz_full * CH
    mesh = plsc.VectorSubcoreMesh(core_axis_name="c", subcore_axis_name="s")

    out_type = [jax.ShapeDtypeStruct((NC, npad, fh), jnp.float32)]
    if with_count:
        out_type.append(jax.ShapeDtypeStruct((NS * npad,), jnp.float32))

    @functools.partial(
        pl.kernel,
        mesh=mesh,
        out_type=out_type,
        compiler_params=pltpu.CompilerParams(
            needs_layout_passes=False, use_tc_tiling_on_sc=False),
        scratch_types=[
            pltpu.VMEM((SK * CH,), jnp.int32),
            pltpu.VMEM((SK * CH,), jnp.int32),
            pltpu.VMEM((SK * CH,), jnp.int32),
            pltpu.VMEM((SK * CH,), jnp.int32),
            pltpu.VMEM((SK * CH, fh), jnp.float32),
            pltpu.VMEM((SK * CH, fh), jnp.float32),
            pltpu.VMEM((npad,), jnp.float32),
            pltpu.VMEM_SHARED((npad, fh), jnp.float32),
            pltpu.SemaphoreType.DMA,
            pltpu.SemaphoreType.DMA,
            pltpu.SemaphoreType.DMA,
            pltpu.SemaphoreType.DMA,
            pltpu.SemaphoreType.DMA,
            pltpu.SemaphoreType.DMA,
        ],
    )
    def seg(t_hbm, src_hbm, dst_hbm, *out_and_scratch):
        if with_count:
            out_hbm, cnt_hbm = out_and_scratch[:2]
            rest = out_and_scratch[2:]
        else:
            out_hbm = out_and_scratch[0]
            rest = out_and_scratch[1:]
        (s0, s1, d0, d1, rows0, rows1, cnt, acc,
         g0, g1, i0, i1, x0, x1) = rest
        sidxb = (s0, s1)
        didxb = (d0, d1)
        rows = (rows0, rows1)
        gsem = (g0, g1)
        isem = (i0, i1)
        ssem = (x0, x1)
        zbuf = rows0.at[pl.ds(0, CH)]
        c = lax.axis_index("c")
        s = lax.axis_index("s")
        row0 = s * rows_per_tile

        zv = jnp.zeros((L,), dtype=jnp.float32)

        def zrow(i, carry):
            for g in range(fh // L):
                zbuf[i, pl.ds(g * L, L)] = zv
            return carry

        lax.fori_loop(0, CH, zrow, 0)
        for z in range(nz_full):
            pltpu.sync_copy(zbuf, acc.at[pl.ds(row0 + z * CH, CH)])
        if z_rem:
            pltpu.sync_copy(zbuf.at[pl.ds(0, z_rem)],
                            acc.at[pl.ds(row0 + nz_full * CH, z_rem)])
        if with_count:
            def zi(i, carry):
                cnt[pl.ds(i * L, L)] = zv
                return carry

            lax.fori_loop(0, npad // L, zi, 0)
        plsc.subcore_barrier()

        ones = jnp.full((L,), 1.0, dtype=jnp.float32)
        nsuper = cpt // SK
        jrow0 = s * nsuper

        pltpu.sync_copy(src_hbm.at[jrow0], sidxb[0])
        pltpu.sync_copy(dst_hbm.at[jrow0], didxb[0])
        pltpu.async_copy(src_hbm.at[jrow0 + 1], sidxb[1], isem[1])
        pltpu.async_copy(dst_hbm.at[jrow0 + 1], didxb[1], isem[1])
        pltpu.async_copy(t_hbm.at[c].at[sidxb[0]], rows[0], gsem[0])

        def pair(p, carry):
            for b in range(2):
                j = 2 * p + b
                pltpu.make_async_copy(
                    t_hbm.at[c].at[sidxb[b]], rows[b], gsem[b]).wait()
                scat = pltpu.async_copy(
                    rows[b], acc.at[didxb[b]], ssem[b], add=True)
                nxt = j + 1

                @pl.when(nxt < nsuper)
                def _():
                    pltpu.make_async_copy(
                        src_hbm.at[jrow0 + nxt], sidxb[1 - b],
                        isem[1 - b]).wait()
                    pltpu.make_async_copy(
                        dst_hbm.at[jrow0 + nxt], didxb[1 - b],
                        isem[1 - b]).wait()
                    pltpu.async_copy(t_hbm.at[c].at[sidxb[1 - b]],
                                     rows[1 - b], gsem[1 - b])

                if with_count:
                    @pl.when(c == 0)
                    def _():
                        for i in range(SK * CH // L):
                            d = didxb[b][pl.ds(i * L, L)]
                            plsc.addupdate_scatter(cnt, (d,), ones)
                scat.wait()

                @pl.when(j + 2 < nsuper)
                def _():
                    pltpu.async_copy(src_hbm.at[jrow0 + j + 2],
                                     sidxb[b], isem[b])
                    pltpu.async_copy(dst_hbm.at[jrow0 + j + 2],
                                     didxb[b], isem[b])
            return carry

        lax.fori_loop(0, nsuper // 2, pair, 0)

        if with_count:
            @pl.when(c == 0)
            def _():
                pltpu.sync_copy(cnt, cnt_hbm.at[pl.ds(s * npad, npad)])
        plsc.subcore_barrier()

        pltpu.sync_copy(acc.at[pl.ds(row0, rows_per_tile)],
                        out_hbm.at[c].at[pl.ds(row0, rows_per_tile)])

    return seg


def _tc_matmul(xp, w, blk):
    npad, d = xp.shape
    h = w.shape[1]

    def body(xb, wb, ob):
        ob[...] = jnp.dot(xb[...], wb[...], preferred_element_type=jnp.float32)

    return pl.pallas_call(
        body,
        grid=(npad // blk,),
        in_specs=[
            pl.BlockSpec((blk, d), lambda i: (i, 0)),
            pl.BlockSpec((d, h), lambda i: (0, 0)),
        ],
        out_specs=pl.BlockSpec((blk, h), lambda i: (i, 0)),
        out_shape=jax.ShapeDtypeStruct((npad, h), jnp.float32),
    )(xp, w)


def _tc_combine(pa, cntf, xp, wr, wnext, b, blk):
    npad, d = xp.shape
    h = wr.shape[1]
    fh = h // NC

    def body(pb, cb, xb, wrb, wnb, bb, hb, tb):
        cw = cb[...]
        inv = 1.0 / jnp.maximum(jnp.sum(cw, axis=0), 1.0)
        p = pb[...]
        agg = jnp.concatenate([p[i] for i in range(NC)], axis=-1)
        hv = jnp.maximum(
            agg * inv[:, None] + bb[...]
            + jnp.dot(xb[...], wrb[...], preferred_element_type=jnp.float32),
            0.0)
        hb[...] = hv
        tb[...] = jnp.dot(hv, wnb[...], preferred_element_type=jnp.float32)

    return pl.pallas_call(
        body,
        grid=(npad // blk,),
        in_specs=[
            pl.BlockSpec((NC, blk, fh), lambda i: (0, i, 0)),
            pl.BlockSpec((NS, blk), lambda i: (0, i)),
            pl.BlockSpec((blk, d), lambda i: (i, 0)),
            pl.BlockSpec((d, h), lambda i: (0, 0)),
            pl.BlockSpec((h, h), lambda i: (0, 0)),
            pl.BlockSpec((1, h), lambda i: (0, 0)),
        ],
        out_specs=[
            pl.BlockSpec((blk, h), lambda i: (i, 0)),
            pl.BlockSpec((blk, h), lambda i: (i, 0)),
        ],
        out_shape=[
            jax.ShapeDtypeStruct((npad, h), jnp.float32),
            jax.ShapeDtypeStruct((npad, h), jnp.float32),
        ],
    )(pa, cntf, xp, wr, wnext, b)


def _tc_final(pa, cntf, hp, wr, b, blk):
    npad, d = hp.shape
    h = wr.shape[1]
    fh = h // NC

    def body(pb, cb, xb, wrb, bb, ob):
        cw = cb[...]
        inv = 1.0 / jnp.maximum(jnp.sum(cw, axis=0), 1.0)
        p = pb[...]
        agg = jnp.concatenate([p[i] for i in range(NC)], axis=-1)
        ob[...] = (
            agg * inv[:, None] + bb[...]
            + jnp.dot(xb[...], wrb[...], preferred_element_type=jnp.float32))

    return pl.pallas_call(
        body,
        grid=(npad // blk,),
        in_specs=[
            pl.BlockSpec((NC, blk, fh), lambda i: (0, i, 0)),
            pl.BlockSpec((NS, blk), lambda i: (0, i)),
            pl.BlockSpec((blk, d), lambda i: (i, 0)),
            pl.BlockSpec((d, h), lambda i: (0, 0)),
            pl.BlockSpec((1, h), lambda i: (0, 0)),
        ],
        out_specs=pl.BlockSpec((blk, h), lambda i: (i, 0)),
        out_shape=jax.ShapeDtypeStruct((npad, h), jnp.float32),
    )(pa, cntf, hp, wr, b)


def _split_feats(t, npad):
    h = t.shape[1]
    fh = h // NC
    return jnp.stack([t[:, i * fh:(i + 1) * fh] for i in range(NC)])


def kernel(x, edge_index, W1l, b1l, W1r, W2l, b2l, W2r):
    n, d = x.shape
    h = W1l.shape[1]
    e = edge_index.shape[1]

    npad = _round_up(n + 1, 2048)
    cpt = _round_up(math.ceil(e / (NS * CH)), 8)
    epad = NS * cpt * CH
    blk = 5120

    src = edge_index[0]
    dst = edge_index[1]
    if epad != e:
        pad = epad - e
        src = jnp.concatenate([src, jnp.zeros((pad,), jnp.int32)])
        dst = jnp.concatenate([dst, jnp.full((pad,), n, jnp.int32)])
    src2 = src.reshape(NS * cpt // SK, SK * CH)
    dst2 = dst.reshape(NS * cpt // SK, SK * CH)

    xp = jnp.zeros((npad, d), jnp.float32).at[:n].set(x)

    seg_c = _sc_segment_sum(npad, cpt, h, True)
    seg = _sc_segment_sum(npad, cpt, h, False)

    t1 = _tc_matmul(xp, W1l, blk)
    agg1, cnt_flat = seg_c(_split_feats(t1, npad), src2, dst2)
    cntf = cnt_flat.reshape(NS, npad)
    hp, t2 = _tc_combine(agg1, cntf, xp, W1r, W2l, b1l.reshape(1, h), blk)
    [agg2] = seg(_split_feats(t2, npad), src2, dst2)
    out = _tc_final(agg2, cntf, hp, W2r, b2l.reshape(1, h), blk)
    return out[:n]

# --- scband reference (transcript-rebuilt; emitter-appended) ---
"""Pipeline reference for scband-message-passing-encoder-10539849744616 (READ-ONLY COPY).

The authoritative reference and input builder live on the scoring server;
editing this copy changes nothing except your own understanding.
"""

import jax, jax.numpy as jnp
import numpy as np

N = 10000
E = 320000
D = 128
H = 128


def setup_inputs(seed: int = 0) -> dict:
    key = jax.random.key(seed)
    ks = jax.random.split(key, 8)
    x = jax.random.normal(ks[0], (N, D), dtype=jnp.float32)
    edge_index = jax.random.randint(ks[1], (2, E), 0, N, dtype=jnp.int32)
    # SAGEConv layer 1 params: lin_l (neighbor agg, with bias), lin_r (root, no bias)
    W1l = jax.random.normal(ks[2], (D, H), dtype=jnp.float32) * 0.05
    b1l = jnp.zeros((H,), dtype=jnp.float32)
    W1r = jax.random.normal(ks[3], (D, H), dtype=jnp.float32) * 0.05
    # layer 2
    W2l = jax.random.normal(ks[4], (H, H), dtype=jnp.float32) * 0.05
    b2l = jnp.zeros((H,), dtype=jnp.float32)
    W2r = jax.random.normal(ks[5], (H, H), dtype=jnp.float32) * 0.05
    return {"x": x, "edge_index": edge_index, "W1l": W1l, "b1l": b1l, "W1r": W1r,
            "W2l": W2l, "b2l": b2l, "W2r": W2r}


def _sage_conv(h, src, dst, Wl, bl, Wr):
    # message = x_j (source node feats); aggregate = mean over incoming edges per dst
    msgs = h[src]                                    # gather [E, d]
    agg = jax.ops.segment_sum(msgs, dst, num_segments=N)  # scatter-add [N, d]
    cnt = jax.ops.segment_sum(jnp.ones((src.shape[0],), dtype=h.dtype), dst, num_segments=N)
    mean = agg / jnp.maximum(cnt, 1.0)[:, None]
    return mean @ Wl + bl + h @ Wr


def reference(x, edge_index, W1l, b1l, W1r, W2l, b2l, W2r):
    src = edge_index[0]
    dst = edge_index[1]
    h = _sage_conv(x, src, dst, W1l, b1l, W1r)
    h = jax.nn.relu(h)  # intermediate layer activation; dropout=0.0 is identity
    h = _sage_conv(h, src, dst, W2l, b2l, W2r)
    return h

if __name__ == "__main__":
    import jax
    _d = setup_inputs()
    print(jax.jit(kernel)(*tuple(_d.values())))

</pallas_src>

<mosaic_0001>
#map = affine_map<(d0, d1) -> (0, 0, 0)>
#map1 = affine_map<(d0, d1) -> (0, 0)>
module attributes {stable_mosaic.version = 14 : i64} {
  func.func @seg(%arg0: i32, %arg1: i32, %arg2: memref<2x10240x64xf32, #tpu.memory_space<hbm>>, %arg3: memref<640x512xi32, #tpu.memory_space<hbm>>, %arg4: memref<640x512xi32, #tpu.memory_space<hbm>>, %arg5: memref<2x10240x64xf32, #tpu.memory_space<hbm>>, %arg6: memref<512xi32, #tpu.memory_space<vmem>>, %arg7: memref<512xi32, #tpu.memory_space<vmem>>, %arg8: memref<512xi32, #tpu.memory_space<vmem>>, %arg9: memref<512xi32, #tpu.memory_space<vmem>>, %arg10: memref<512x64xf32, #tpu.memory_space<vmem>>, %arg11: memref<512x64xf32, #tpu.memory_space<vmem>>, %arg12: memref<10240xf32, #tpu.memory_space<vmem>>, %arg13: memref<10240x64xf32, #tpu.memory_space<vmem_shared>>, %arg14: memref<!tpu.dma_semaphore, #tpu.memory_space<semaphore_mem>>, %arg15: memref<!tpu.dma_semaphore, #tpu.memory_space<semaphore_mem>>, %arg16: memref<!tpu.dma_semaphore, #tpu.memory_space<semaphore_mem>>, %arg17: memref<!tpu.dma_semaphore, #tpu.memory_space<semaphore_mem>>, %arg18: memref<!tpu.dma_semaphore, #tpu.memory_space<semaphore_mem>>, %arg19: memref<!tpu.dma_semaphore, #tpu.memory_space<semaphore_mem>>) attributes {dimension_semantics = [#tpu.dimension_semantics<core_parallel>, #tpu.dimension_semantics<subcore_parallel>], iteration_bounds = array<i64: 2, 16>, scalar_prefetch = 0 : i64, scratch_operands = 14 : i64, tpu.core_type = #tpu.core_type<sc_vector_subcore>, window_params = [{transform_indices = #map}, {transform_indices = #map1}, {transform_indices = #map1}, {transform_indices = #map}]} {
    %mul3A = arith.constant 640 : i32
    %mul3A_0 = arith.muli %arg1, %mul3A : i32
    %broadcast_in_dim3A = arith.constant 0.000000e+00 : f32
    %broadcast_in_dim3A_1 = vector.broadcast %broadcast_in_dim3A : f32 to vector<16xf32>
    %scan3A = arith.constant 0 : i32
    %scan3A_2 = arith.constant 0 : i32
    %scan3A_3 = arith.constant 128 : i32
    %scan3A_4 = arith.addi %scan3A_2, %scan3A_3 : i32
    %scan3A_5 = arith.constant 1 : i32
    scf.for %scan3A_49 = %scan3A_2 to %scan3A_4 step %scan3A_5  : i32 {
      %swap3A = arith.constant 0 : i32
      %swap3A_50 = arith.constant 0 : i32
      %swap3A_51 = tpu.memref_slice %arg10[%swap3A, %swap3A_50] : memref<512x64xf32, #tpu.memory_space<vmem>> -> memref<128x64xf32, #tpu.memory_space<vmem>>
      %swap3A_52 = arith.index_cast %scan3A_49 : i32 to index
      %swap3A_53 = arith.constant 0 : index
      %swap3A_54 = tpu.vector_load %swap3A_51[%swap3A_52, %swap3A_53] {strides = array<i32>} : memref<128x64xf32, #tpu.memory_space<vmem>>, vector<16xf32>,
      tpu.vector_store %swap3A_51[%swap3A_52, %swap3A_53], %broadcast_in_dim3A_1 {strides = array<i32>} : memref<128x64xf32, #tpu.memory_space<vmem>>, vector<16xf32>,
      %swap3A_55 = arith.constant 0 : i32
      %swap3A_56 = arith.constant 0 : i32
      %swap3A_57 = tpu.memref_slice %arg10[%swap3A_55, %swap3A_56] : memref<512x64xf32, #tpu.memory_space<vmem>> -> memref<128x64xf32, #tpu.memory_space<vmem>>
      %swap3A_58 = arith.index_cast %scan3A_49 : i32 to index
      %swap3A_59 = arith.constant 16 : index
      %swap3A_60 = tpu.vector_load %swap3A_57[%swap3A_58, %swap3A_59] {strides = array<i32>} : memref<128x64xf32, #tpu.memory_space<vmem>>, vector<16xf32>,
      tpu.vector_store %swap3A_57[%swap3A_58, %swap3A_59], %broadcast_in_dim3A_1 {strides = array<i32>} : memref<128x64xf32, #tpu.memory_space<vmem>>, vector<16xf32>,
      %swap3A_61 = arith.constant 0 : i32
      %swap3A_62 = arith.constant 0 : i32
      %swap3A_63 = tpu.memref_slice %arg10[%swap3A_61, %swap3A_62] : memref<512x64xf32, #tpu.memory_space<vmem>> -> memref<128x64xf32, #tpu.memory_space<vmem>>
      %swap3A_64 = arith.index_cast %scan3A_49 : i32 to index
      %swap3A_65 = arith.constant 32 : index
      %swap3A_66 = tpu.vector_load %swap3A_63[%swap3A_64, %swap3A_65] {strides = array<i32>} : memref<128x64xf32, #tpu.memory_space<vmem>>, vector<16xf32>,
      tpu.vector_store %swap3A_63[%swap3A_64, %swap3A_65], %broadcast_in_dim3A_1 {strides = array<i32>} : memref<128x64xf32, #tpu.memory_space<vmem>>, vector<16xf32>,
      %swap3A_67 = arith.constant 0 : i32
      %swap3A_68 = arith.constant 0 : i32
      %swap3A_69 = tpu.memref_slice %arg10[%swap3A_67, %swap3A_68] : memref<512x64xf32, #tpu.memory_space<vmem>> -> memref<128x64xf32, #tpu.memory_space<vmem>>
      %swap3A_70 = arith.index_cast %scan3A_49 : i32 to index
      %swap3A_71 = arith.constant 48 : index
      %swap3A_72 = tpu.vector_load %swap3A_69[%swap3A_70, %swap3A_71] {strides = array<i32>} : memref<128x64xf32, #tpu.memory_space<vmem>>, vector<16xf32>,
      tpu.vector_store %swap3A_69[%swap3A_70, %swap3A_71], %broadcast_in_dim3A_1 {strides = array<i32>} : memref<128x64xf32, #tpu.memory_space<vmem>>, vector<16xf32>,
    }
    %scan3A_6 = arith.constant 128 : i32
    %add3A = arith.constant 0 : i32
    %add3A_7 = arith.addi %mul3A_0, %add3A : i32
    "tpu.region"() ({
      %run_scoped3A = tpu.sem_alloc : memref<!tpu.dma_semaphore, #tpu.memory_space<semaphore_mem>>
      %dma_start3A_49 = arith.constant 0 : i32
      %dma_start3A_50 = arith.constant 0 : i32
      %dma_start3A_51 = tpu.memref_slice %arg10[%dma_start3A_49, %dma_start3A_50] : memref<512x64xf32, #tpu.memory_space<vmem>> -> memref<128x64xf32, #tpu.memory_space<vmem>>
      %dma_start3A_52 = arith.constant 0 : i32
      %dma_start3A_53 = tpu.memref_slice %arg13[%add3A_7, %dma_start3A_52] : memref<10240x64xf32, #tpu.memory_space<vmem_shared>> -> memref<128x64xf32, #tpu.memory_space<vmem_shared>>
      %dma_start3A_54 = arith.constant 0 : i32
      %dma_start3A_55 = tpu.memref_slice %arg13[%add3A_7, %dma_start3A_54] : memref<10240x64xf32, #tpu.memory_space<vmem_shared>> -> memref<128x64xf32, #tpu.memory_space<vmem_shared>>
      %dma_start3A_56 = arith.constant 0 : i32
      %dma_start3A_57 = arith.constant 0 : i32
      %dma_start3A_58 = tpu.memref_slice %arg10[%dma_start3A_56, %dma_start3A_57] : memref<512x64xf32, #tpu.memory_space<vmem>> -> memref<128x64xf32, #tpu.memory_space<vmem>>
      tpu.enqueue_dma source(%dma_start3A_58 : memref<128x64xf32, #tpu.memory_space<vmem>>) target(%dma_start3A_55 : memref<128x64xf32, #tpu.memory_space<vmem_shared>>) target_semaphore(%run_scoped3A : memref<!tpu.dma_semaphore, #tpu.memory_space<semaphore_mem>>)
      %dma_wait3A = arith.constant 0 : i32
      %dma_wait3A_59 = arith.constant 0 : i32
      %dma_wait3A_60 = tpu.memref_slice %arg10[%dma_wait3A, %dma_wait3A_59] : memref<512x64xf32, #tpu.memory_space<vmem>> -> memref<128x64xf32, #tpu.memory_space<vmem>>
      %dma_wait3A_61 = arith.constant 0 : i32
      %dma_wait3A_62 = tpu.memref_slice %arg13[%add3A_7, %dma_wait3A_61] : memref<10240x64xf32, #tpu.memory_space<vmem_shared>> -> memref<128x64xf32, #tpu.memory_space<vmem_shared>>
      %dma_wait3A_63 = arith.constant 0 : i32
      %dma_wait3A_64 = tpu.memref_slice %arg13[%add3A_7, %dma_wait3A_63] : memref<10240x64xf32, #tpu.memory_space<vmem_shared>> -> memref<128x64xf32, #tpu.memory_space<vmem_shared>>
      %dma_wait3A_65 = arith.constant 0 : i32
      %dma_wait3A_66 = arith.constant 0 : i32
      %dma_wait3A_67 = tpu.memref_slice %arg10[%dma_wait3A_65, %dma_wait3A_66] : memref<512x64xf32, #tpu.memory_space<vmem>> -> memref<128x64xf32, #tpu.memory_space<vmem>>
      tpu.wait_dma2 semaphore(%run_scoped3A : memref<!tpu.dma_semaphore, #tpu.memory_space<semaphore_mem>>) src(%dma_wait3A_67 : memref<128x64xf32, #tpu.memory_space<vmem>>) dst(%dma_wait3A_64 : memref<128x64xf32, #tpu.memory_space<vmem_shared>>)
      tpu.yield
    }) : () -> ()
    %add3A_8 = arith.constant 128 : i32
    %add3A_9 = arith.addi %mul3A_0, %add3A_8 : i32
    "tpu.region"() ({
      %run_scoped3A = tpu.sem_alloc : memref<!tpu.dma_semaphore, #tpu.memory_space<semaphore_mem>>
      %dma_start3A_49 = arith.constant 0 : i32
      %dma_start3A_50 = arith.constant 0 : i32
      %dma_start3A_51 = tpu.memref_slice %arg10[%dma_start3A_49, %dma_start3A_50] : memref<512x64xf32, #tpu.memory_space<vmem>> -> memref<128x64xf32, #tpu.memory_space<vmem>>
      %dma_start3A_52 = arith.constant 0 : i32
      %dma_start3A_53 = tpu.memref_slice %arg13[%add3A_9, %dma_start3A_52] : memref<10240x64xf32, #tpu.memory_space<vmem_shared>> -> memref<128x64xf32, #tpu.memory_space<vmem_shared>>
      %dma_start3A_54 = arith.constant 0 : i32
      %dma_start3A_55 = tpu.memref_slice %arg13[%add3A_9, %dma_start3A_54] : memref<10240x64xf32, #tpu.memory_space<vmem_shared>> -> memref<128x64xf32, #tpu.memory_space<vmem_shared>>
      %dma_start3A_56 = arith.constant 0 : i32
      %dma_start3A_57 = arith.constant 0 : i32
      %dma_start3A_58 = tpu.memref_slice %arg10[%dma_start3A_56, %dma_start3A_57] : memref<512x64xf32, #tpu.memory_space<vmem>> -> memref<128x64xf32, #tpu.memory_space<vmem>>
      tpu.enqueue_dma source(%dma_start3A_58 : memref<128x64xf32, #tpu.memory_space<vmem>>) target(%dma_start3A_55 : memref<128x64xf32, #tpu.memory_space<vmem_shared>>) target_semaphore(%run_scoped3A : memref<!tpu.dma_semaphore, #tpu.memory_space<semaphore_mem>>)
      %dma_wait3A = arith.constant 0 : i32
      %dma_wait3A_59 = arith.constant 0 : i32
      %dma_wait3A_60 = tpu.memref_slice %arg10[%dma_wait3A, %dma_wait3A_59] : memref<512x64xf32, #tpu.memory_space<vmem>> -> memref<128x64xf32, #tpu.memory_space<vmem>>
      %dma_wait3A_61 = arith.constant 0 : i32
      %dma_wait3A_62 = tpu.memref_slice %arg13[%add3A_9, %dma_wait3A_61] : memref<10240x64xf32, #tpu.memory_space<vmem_shared>> -> memref<128x64xf32, #tpu.memory_space<vmem_shared>>
      %dma_wait3A_63 = arith.constant 0 : i32
      %dma_wait3A_64 = tpu.memref_slice %arg13[%add3A_9, %dma_wait3A_63] : memref<10240x64xf32, #tpu.memory_space<vmem_shared>> -> memref<128x64xf32, #tpu.memory_space<vmem_shared>>
      %dma_wait3A_65 = arith.constant 0 : i32
      %dma_wait3A_66 = arith.constant 0 : i32
      %dma_wait3A_67 = tpu.memref_slice %arg10[%dma_wait3A_65, %dma_wait3A_66] : memref<512x64xf32, #tpu.memory_space<vmem>> -> memref<128x64xf32, #tpu.memory_space<vmem>>
      tpu.wait_dma2 semaphore(%run_scoped3A : memref<!tpu.dma_semaphore, #tpu.memory_space<semaphore_mem>>) src(%dma_wait3A_67 : memref<128x64xf32, #tpu.memory_space<vmem>>) dst(%dma_wait3A_64 : memref<128x64xf32, #tpu.memory_space<vmem_shared>>)
      tpu.yield
    }) : () -> ()
    %add3A_10 = arith.constant 256 : i32
    %add3A_11 = arith.addi %mul3A_0, %add3A_10 : i32
    "tpu.region"() ({
      %run_scoped3A = tpu.sem_alloc : memref<!tpu.dma_semaphore, #tpu.memory_space<semaphore_mem>>
      %dma_start3A_49 = arith.constant 0 : i32
      %dma_start3A_50 = arith.constant 0 : i32
      %dma_start3A_51 = tpu.memref_slice %arg10[%dma_start3A_49, %dma_start3A_50] : memref<512x64xf32, #tpu.memory_space<vmem>> -> memref<128x64xf32, #tpu.memory_space<vmem>>
      %dma_start3A_52 = arith.constant 0 : i32
      %dma_start3A_53 = tpu.memref_slice %arg13[%add3A_11, %dma_start3A_52] : memref<10240x64xf32, #tpu.memory_space<vmem_shared>> -> memref<128x64xf32, #tpu.memory_space<vmem_shared>>
      %dma_start3A_54 = arith.constant 0 : i32
      %dma_start3A_55 = tpu.memref_slice %arg13[%add3A_11, %dma_start3A_54] : memref<10240x64xf32, #tpu.memory_space<vmem_shared>> -> memref<128x64xf32, #tpu.memory_space<vmem_shared>>
      %dma_start3A_56 = arith.constant 0 : i32
      %dma_start3A_57 = arith.constant 0 : i32
      %dma_start3A_58 = tpu.memref_slice %arg10[%dma_start3A_56, %dma_start3A_57] : memref<512x64xf32, #tpu.memory_space<vmem>> -> memref<128x64xf32, #tpu.memory_space<vmem>>
      tpu.enqueue_dma source(%dma_start3A_58 : memref<128x64xf32, #tpu.memory_space<vmem>>) target(%dma_start3A_55 : memref<128x64xf32, #tpu.memory_space<vmem_shared>>) target_semaphore(%run_scoped3A : memref<!tpu.dma_semaphore, #tpu.memory_space<semaphore_mem>>)
      %dma_wait3A = arith.constant 0 : i32
      %dma_wait3A_59 = arith.constant 0 : i32
      %dma_wait3A_60 = tpu.memref_slice %arg10[%dma_wait3A, %dma_wait3A_59] : memref<512x64xf32, #tpu.memory_space<vmem>> -> memref<128x64xf32, #tpu.memory_space<vmem>>
      %dma_wait3A_61 = arith.constant 0 : i32
      %dma_wait3A_62 = tpu.memref_slice %arg13[%add3A_11, %dma_wait3A_61] : memref<10240x64xf32, #tpu.memory_space<vmem_shared>> -> memref<128x64xf32, #tpu.memory_space<vmem_shared>>
      %dma_wait3A_63 = arith.constant 0 : i32
      %dma_wait3A_64 = tpu.memref_slice %arg13[%add3A_11, %dma_wait3A_63] : memref<10240x64xf32, #tpu.memory_space<vmem_shared>> -> memref<128x64xf32, #tpu.memory_space<vmem_shared>>
      %dma_wait3A_65 = arith.constant 0 : i32
      %dma_wait3A_66 = arith.constant 0 : i32
      %dma_wait3A_67 = tpu.memref_slice %arg10[%dma_wait3A_65, %dma_wait3A_66] : memref<512x64xf32, #tpu.memory_space<vmem>> -> memref<128x64xf32, #tpu.memory_space<vmem>>
      tpu.wait_dma2 semaphore(%run_scoped3A : memref<!tpu.dma_semaphore, #tpu.memory_space<semaphore_mem>>) src(%dma_wait3A_67 : memref<128x64xf32, #tpu.memory_space<vmem>>) dst(%dma_wait3A_64 : memref<128x64xf32, #tpu.memory_space<vmem_shared>>)
      tpu.yield
    }) : () -> ()
    %add3A_12 = arith.constant 384 : i32
    %add3A_13 = arith.addi %mul3A_0, %add3A_12 : i32
    "tpu.region"() ({
      %run_scoped3A = tpu.sem_alloc : memref<!tpu.dma_semaphore, #tpu.memory_space<semaphore_mem>>
      %dma_start3A_49 = arith.constant 0 : i32
      %dma_start3A_50 = arith.constant 0 : i32
      %dma_start3A_51 = tpu.memref_slice %arg10[%dma_start3A_49, %dma_start3A_50] : memref<512x64xf32, #tpu.memory_space<vmem>> -> memref<128x64xf32, #tpu.memory_space<vmem>>
      %dma_start3A_52 = arith.constant 0 : i32
      %dma_start3A_53 = tpu.memref_slice %arg13[%add3A_13, %dma_start3A_52] : memref<10240x64xf32, #tpu.memory_space<vmem_shared>> -> memref<128x64xf32, #tpu.memory_space<vmem_shared>>
      %dma_start3A_54 = arith.constant 0 : i32
      %dma_start3A_55 = tpu.memref_slice %arg13[%add3A_13, %dma_start3A_54] : memref<10240x64xf32, #tpu.memory_space<vmem_shared>> -> memref<128x64xf32, #tpu.memory_space<vmem_shared>>
      %dma_start3A_56 = arith.constant 0 : i32
      %dma_start3A_57 = arith.constant 0 : i32
      %dma_start3A_58 = tpu.memref_slice %arg10[%dma_start3A_56, %dma_start3A_57] : memref<512x64xf32, #tpu.memory_space<vmem>> -> memref<128x64xf32, #tpu.memory_space<vmem>>
      tpu.enqueue_dma source(%dma_start3A_58 : memref<128x64xf32, #tpu.memory_space<vmem>>) target(%dma_start3A_55 : memref<128x64xf32, #tpu.memory_space<vmem_shared>>) target_semaphore(%run_scoped3A : memref<!tpu.dma_semaphore, #tpu.memory_space<semaphore_mem>>)
      %dma_wait3A = arith.constant 0 : i32
      %dma_wait3A_59 = arith.constant 0 : i32
      %dma_wait3A_60 = tpu.memref_slice %arg10[%dma_wait3A, %dma_wait3A_59] : memref<512x64xf32, #tpu.memory_space<vmem>> -> memref<128x64xf32, #tpu.memory_space<vmem>>
      %dma_wait3A_61 = arith.constant 0 : i32
      %dma_wait3A_62 = tpu.memref_slice %arg13[%add3A_13, %dma_wait3A_61] : memref<10240x64xf32, #tpu.memory_space<vmem_shared>> -> memref<128x64xf32, #tpu.memory_space<vmem_shared>>
      %dma_wait3A_63 = arith.constant 0 : i32
      %dma_wait3A_64 = tpu.memref_slice %arg13[%add3A_13, %dma_wait3A_63] : memref<10240x64xf32, #tpu.memory_space<vmem_shared>> -> memref<128x64xf32, #tpu.memory_space<vmem_shared>>
      %dma_wait3A_65 = arith.constant 0 : i32
      %dma_wait3A_66 = arith.constant 0 : i32
      %dma_wait3A_67 = tpu.memref_slice %arg10[%dma_wait3A_65, %dma_wait3A_66] : memref<512x64xf32, #tpu.memory_space<vmem>> -> memref<128x64xf32, #tpu.memory_space<vmem>>
      tpu.wait_dma2 semaphore(%run_scoped3A : memref<!tpu.dma_semaphore, #tpu.memory_space<semaphore_mem>>) src(%dma_wait3A_67 : memref<128x64xf32, #tpu.memory_space<vmem>>) dst(%dma_wait3A_64 : memref<128x64xf32, #tpu.memory_space<vmem_shared>>)
      tpu.yield
    }) : () -> ()
    %add3A_14 = arith.constant 512 : i32
    %add3A_15 = arith.addi %mul3A_0, %add3A_14 : i32
    "tpu.region"() ({
      %run_scoped3A = tpu.sem_alloc : memref<!tpu.dma_semaphore, #tpu.memory_space<semaphore_mem>>
      %dma_start3A_49 = arith.constant 0 : i32
      %dma_start3A_50 = arith.constant 0 : i32
      %dma_start3A_51 = tpu.memref_slice %arg10[%dma_start3A_49, %dma_start3A_50] : memref<512x64xf32, #tpu.memory_space<vmem>> -> memref<128x64xf32, #tpu.memory_space<vmem>>
      %dma_start3A_52 = arith.constant 0 : i32
      %dma_start3A_53 = tpu.memref_slice %arg13[%add3A_15, %dma_start3A_52] : memref<10240x64xf32, #tpu.memory_space<vmem_shared>> -> memref<128x64xf32, #tpu.memory_space<vmem_shared>>
      %dma_start3A_54 = arith.constant 0 : i32
      %dma_start3A_55 = tpu.memref_slice %arg13[%add3A_15, %dma_start3A_54] : memref<10240x64xf32, #tpu.memory_space<vmem_shared>> -> memref<128x64xf32, #tpu.memory_space<vmem_shared>>
      %dma_start3A_56 = arith.constant 0 : i32
      %dma_start3A_57 = arith.constant 0 : i32
      %dma_start3A_58 = tpu.memref_slice %arg10[%dma_start3A_56, %dma_start3A_57] : memref<512x64xf32, #tpu.memory_space<vmem>> -> memref<128x64xf32, #tpu.memory_space<vmem>>
      tpu.enqueue_dma source(%dma_start3A_58 : memref<128x64xf32, #tpu.memory_space<vmem>>) target(%dma_start3A_55 : memref<128x64xf32, #tpu.memory_space<vmem_shared>>) target_semaphore(%run_scoped3A : memref<!tpu.dma_semaphore, #tpu.memory_space<semaphore_mem>>)
      %dma_wait3A = arith.constant 0 : i32
      %dma_wait3A_59 = arith.constant 0 : i32
      %dma_wait3A_60 = tpu.memref_slice %arg10[%dma_wait3A, %dma_wait3A_59] : memref<512x64xf32, #tpu.memory_space<vmem>> -> memref<128x64xf32, #tpu.memory_space<vmem>>
      %dma_wait3A_61 = arith.constant 0 : i32
      %dma_wait3A_62 = tpu.memref_slice %arg13[%add3A_15, %dma_wait3A_61] : memref<10240x64xf32, #tpu.memory_space<vmem_shared>> -> memref<128x64xf32, #tpu.memory_space<vmem_shared>>
      %dma_wait3A_63 = arith.constant 0 : i32
      %dma_wait3A_64 = tpu.memref_slice %arg13[%add3A_15, %dma_wait3A_63] : memref<10240x64xf32, #tpu.memory_space<vmem_shared>> -> memref<128x64xf32, #tpu.memory_space<vmem_shared>>
      %dma_wait3A_65 = arith.constant 0 : i32
      %dma_wait3A_66 = arith.constant 0 : i32
      %dma_wait3A_67 = tpu.memref_slice %arg10[%dma_wait3A_65, %dma_wait3A_66] : memref<512x64xf32, #tpu.memory_space<vmem>> -> memref<128x64xf32, #tpu.memory_space<vmem>>
      tpu.wait_dma2 semaphore(%run_scoped3A : memref<!tpu.dma_semaphore, #tpu.memory_space<semaphore_mem>>) src(%dma_wait3A_67 : memref<128x64xf32, #tpu.memory_space<vmem>>) dst(%dma_wait3A_64 : memref<128x64xf32, #tpu.memory_space<vmem_shared>>)
      tpu.yield
    }) : () -> ()
    %barrier3A = arith.constant 0 : index
    tpu.barrier barrier_id(%barrier3A)
    %broadcast_in_dim3A_16 = arith.constant 1.000000e+00 : f32
    %broadcast_in_dim3A_17 = vector.broadcast %broadcast_in_dim3A_16 : f32 to vector<16xf32>
    %mul3A_18 = arith.constant 40 : i32
    %mul3A_19 = arith.muli %arg1, %mul3A_18 : i32
    "tpu.region"() ({
      %run_scoped3A = tpu.sem_alloc : memref<!tpu.dma_semaphore, #tpu.memory_space<semaphore_mem>>
      %dma_start3A_49 = arith.constant 0 : i32
      %dma_start3A_50 = tpu.memref_slice %arg3[%mul3A_19, %dma_start3A_49] : memref<640x512xi32, #tpu.memory_space<hbm>> -> memref<1x512xi32, #tpu.memory_space<hbm>>
      %dma_start3A_51 = tpu.memref_squeeze %dma_start3A_50 : memref<1x512xi32, #tpu.memory_space<hbm>> -> memref<512xi32, #tpu.memory_space<hbm>>
      %dma_start3A_52 = arith.constant 0 : i32
      %dma_start3A_53 = tpu.memref_slice %arg3[%mul3A_19, %dma_start3A_52] : memref<640x512xi32, #tpu.memory_space<hbm>> -> memref<1x512xi32, #tpu.memory_space<hbm>>
      %dma_start3A_54 = tpu.memref_squeeze %dma_start3A_53 : memref<1x512xi32, #tpu.memory_space<hbm>> -> memref<512xi32, #tpu.memory_space<hbm>>
      tpu.enqueue_dma source(%dma_start3A_54 : memref<512xi32, #tpu.memory_space<hbm>>) target(%arg6 : memref<512xi32, #tpu.memory_space<vmem>>) target_semaphore(%run_scoped3A : memref<!tpu.dma_semaphore, #tpu.memory_space<semaphore_mem>>)
      %dma_wait3A = arith.constant 0 : i32
      %dma_wait3A_55 = tpu.memref_slice %arg3[%mul3A_19, %dma_wait3A] : memref<640x512xi32, #tpu.memory_space<hbm>> -> memref<1x512xi32, #tpu.memory_space<hbm>>
      %dma_wait3A_56 = tpu.memref_squeeze %dma_wait3A_55 : memref<1x512xi32, #tpu.memory_space<hbm>> -> memref<512xi32, #tpu.memory_space<hbm>>
      %dma_wait3A_57 = arith.constant 0 : i32
      %dma_wait3A_58 = tpu.memref_slice %arg3[%mul3A_19, %dma_wait3A_57] : memref<640x512xi32, #tpu.memory_space<hbm>> -> memref<1x512xi32, #tpu.memory_space<hbm>>
      %dma_wait3A_59 = tpu.memref_squeeze %dma_wait3A_58 : memref<1x512xi32, #tpu.memory_space<hbm>> -> memref<512xi32, #tpu.memory_space<hbm>>
      tpu.wait_dma2 semaphore(%run_scoped3A : memref<!tpu.dma_semaphore, #tpu.memory_space<semaphore_mem>>) src(%dma_wait3A_59 : memref<512xi32, #tpu.memory_space<hbm>>) dst(%arg6 : memref<512xi32, #tpu.memory_space<vmem>>)
      tpu.yield
    }) : () -> ()
    "tpu.region"() ({
      %run_scoped3A = tpu.sem_alloc : memref<!tpu.dma_semaphore, #tpu.memory_space<semaphore_mem>>
      %dma_start3A_49 = arith.constant 0 : i32
      %dma_start3A_50 = tpu.memref_slice %arg4[%mul3A_19, %dma_start3A_49] : memref<640x512xi32, #tpu.memory_space<hbm>> -> memref<1x512xi32, #tpu.memory_space<hbm>>
      %dma_start3A_51 = tpu.memref_squeeze %dma_start3A_50 : memref<1x512xi32, #tpu.memory_space<hbm>> -> memref<512xi32, #tpu.memory_space<hbm>>
      %dma_start3A_52 = arith.constant 0 : i32
      %dma_start3A_53 = tpu.memref_slice %arg4[%mul3A_19, %dma_start3A_52] : memref<640x512xi32, #tpu.memory_space<hbm>> -> memref<1x512xi32, #tpu.memory_space<hbm>>
      %dma_start3A_54 = tpu.memref_squeeze %dma_start3A_53 : memref<1x512xi32, #tpu.memory_space<hbm>> -> memref<512xi32, #tpu.memory_space<hbm>>
      tpu.enqueue_dma source(%dma_start3A_54 : memref<512xi32, #tpu.memory_space<hbm>>) target(%arg8 : memref<512xi32, #tpu.memory_space<vmem>>) target_semaphore(%run_scoped3A : memref<!tpu.dma_semaphore, #tpu.memory_space<semaphore_mem>>)
      %dma_wait3A = arith.constant 0 : i32
      %dma_wait3A_55 = tpu.memref_slice %arg4[%mul3A_19, %dma_wait3A] : memref<640x512xi32, #tpu.memory_space<hbm>> -> memref<1x512xi32, #tpu.memory_space<hbm>>
      %dma_wait3A_56 = tpu.memref_squeeze %dma_wait3A_55 : memref<1x512xi32, #tpu.memory_space<hbm>> -> memref<512xi32, #tpu.memory_space<hbm>>
      %dma_wait3A_57 = arith.constant 0 : i32
      %dma_wait3A_58 = tpu.memref_slice %arg4[%mul3A_19, %dma_wait3A_57] : memref<640x512xi32, #tpu.memory_space<hbm>> -> memref<1x512xi32, #tpu.memory_space<hbm>>
      %dma_wait3A_59 = tpu.memref_squeeze %dma_wait3A_58 : memref<1x512xi32, #tpu.memory_space<hbm>> -> memref<512xi32, #tpu.memory_space<hbm>>
      tpu.wait_dma2 semaphore(%run_scoped3A : memref<!tpu.dma_semaphore, #tpu.memory_space<semaphore_mem>>) src(%dma_wait3A_59 : memref<512xi32, #tpu.memory_space<hbm>>) dst(%arg8 : memref<512xi32, #tpu.memory_space<vmem>>)
      tpu.yield
    }) : () -> ()
    %add3A_20 = arith.constant 1 : i32
    %add3A_21 = arith.addi %mul3A_19, %add3A_20 : i32
    %dma_start3A = arith.constant 0 : i32
    %dma_start3A_22 = tpu.memref_slice %arg3[%add3A_21, %dma_start3A] : memref<640x512xi32, #tpu.memory_space<hbm>> -> memref<1x512xi32, #tpu.memory_space<hbm>>
    %dma_start3A_23 = tpu.memref_squeeze %dma_start3A_22 : memref<1x512xi32, #tpu.memory_space<hbm>> -> memref<512xi32, #tpu.memory_space<hbm>>
    %dma_start3A_24 = arith.constant 0 : i32
    %dma_start3A_25 = tpu.memref_slice %arg3[%add3A_21, %dma_start3A_24] : memref<640x512xi32, #tpu.memory_space<hbm>> -> memref<1x512xi32, #tpu.memory_space<hbm>>
    %dma_start3A_26 = tpu.memref_squeeze %dma_start3A_25 : memref<1x512xi32, #tpu.memory_space<hbm>> -> memref<512xi32, #tpu.memory_space<hbm>>
    tpu.enqueue_dma source(%dma_start3A_26 : memref<512xi32, #tpu.memory_space<hbm>>) target(%arg7 : memref<512xi32, #tpu.memory_space<vmem>>) target_semaphore(%arg17 : memref<!tpu.dma_semaphore, #tpu.memory_space<semaphore_mem>>)
    %add3A_27 = arith.constant 1 : i32
    %add3A_28 = arith.addi %mul3A_19, %add3A_27 : i32
    %dma_start3A_29 = arith.constant 0 : i32
    %dma_start3A_30 = tpu.memref_slice %arg4[%add3A_28, %dma_start3A_29] : memref<640x512xi32, #tpu.memory_space<hbm>> -> memref<1x512xi32, #tpu.memory_space<hbm>>
    %dma_start3A_31 = tpu.memref_squeeze %dma_start3A_30 : memref<1x512xi32, #tpu.memory_space<hbm>> -> memref<512xi32, #tpu.memory_space<hbm>>
    %dma_start3A_32 = arith.constant 0 : i32
    %dma_start3A_33 = tpu.memref_slice %arg4[%add3A_28, %dma_start3A_32] : memref<640x512xi32, #tpu.memory_space<hbm>> -> memref<1x512xi32, #tpu.memory_space<hbm>>
    %dma_start3A_34 = tpu.memref_squeeze %dma_start3A_33 : memref<1x512xi32, #tpu.memory_space<hbm>> -> memref<512xi32, #tpu.memory_space<hbm>>
    tpu.enqueue_dma source(%dma_start3A_34 : memref<512xi32, #tpu.memory_space<hbm>>) target(%arg9 : memref<512xi32, #tpu.memory_space<vmem>>) target_semaphore(%arg17 : memref<!tpu.dma_semaphore, #tpu.memory_space<semaphore_mem>>)
    %dma_start3A_35 = arith.constant 0 : i32
    %dma_start3A_36 = arith.constant 0 : i32
    %dma_start3A_37 = tpu.memref_slice %arg2[%arg0, %dma_start3A_35, %dma_start3A_36] : memref<2x10240x64xf32, #tpu.memory_space<hbm>> -> memref<1x10240x64xf32, #tpu.memory_space<hbm>>
    %dma_start3A_38 = tpu.memref_squeeze %dma_start3A_37 : memref<1x10240x64xf32, #tpu.memory_space<hbm>> -> memref<10240x64xf32, #tpu.memory_space<hbm>>
    %dma_start3A_39 = arith.constant 0 : i32
    %dma_start3A_40 = arith.constant 0 : i32
    %dma_start3A_41 = tpu.memref_slice %dma_start3A_38[%dma_start3A_39, %dma_start3A_40] : memref<10240x64xf32, #tpu.memory_space<hbm>> -> memref<10240x64xf32, #tpu.memory_space<hbm>>
    tpu.enqueue_indirect_dma source(%dma_start3A_41 : memref<10240x64xf32, #tpu.memory_space<hbm>>) target(%arg10 : memref<512x64xf32, #tpu.memory_space<vmem>>) offsets(%arg6 : memref<512xi32, #tpu.memory_space<vmem>>) semaphore(%arg14 : memref<!tpu.dma_semaphore, #tpu.memory_space<semaphore_mem>>)
    %scan3A_42 = arith.constant 0 : i32
    %scan3A_43 = arith.constant 0 : i32
    %scan3A_44 = arith.constant 20 : i32
    %scan3A_45 = arith.addi %scan3A_43, %scan3A_44 : i32
    %scan3A_46 = arith.constant 1 : i32
    scf.for %scan3A_49 = %scan3A_43 to %scan3A_45 step %scan3A_46  : i32 {
      %mul3A_50 = arith.constant 2 : i32
      %mul3A_51 = arith.muli %mul3A_50, %scan3A_49 : i32
      %add3A_52 = arith.constant 0 : i32
      %add3A_53 = arith.addi %mul3A_51, %add3A_52 : i32
      %dma_wait3A = arith.constant 0 : i32
      %dma_wait3A_54 = arith.constant 0 : i32
      %dma_wait3A_55 = tpu.memref_slice %arg2[%arg0, %dma_wait3A, %dma_wait3A_54] : memref<2x10240x64xf32, #tpu.memory_space<hbm>> -> memref<1x10240x64xf32, #tpu.memory_space<hbm>>
      %dma_wait3A_56 = tpu.memref_squeeze %dma_wait3A_55 : memref<1x10240x64xf32, #tpu.memory_space<hbm>> -> memref<10240x64xf32, #tpu.memory_space<hbm>>
      %dma_wait3A_57 = arith.constant 0 : i32
      %dma_wait3A_58 = arith.constant 0 : i32
      %dma_wait3A_59 = tpu.memref_slice %dma_wait3A_56[%dma_wait3A_57, %dma_wait3A_58] : memref<10240x64xf32, #tpu.memory_space<hbm>> -> memref<10240x64xf32, #tpu.memory_space<hbm>>
      tpu.wait_indirect_dma semaphore(%arg14 : memref<!tpu.dma_semaphore, #tpu.memory_space<semaphore_mem>>) src(%dma_wait3A_59 : memref<10240x64xf32, #tpu.memory_space<hbm>>) dst(%arg10 : memref<512x64xf32, #tpu.memory_space<vmem>>)
      %dma_start3A_60 = arith.constant 0 : i32
      %dma_start3A_61 = arith.constant 0 : i32
      %dma_start3A_62 = tpu.memref_slice %arg13[%dma_start3A_60, %dma_start3A_61] : memref<10240x64xf32, #tpu.memory_space<vmem_shared>> -> memref<10240x64xf32, #tpu.memory_space<vmem_shared>>
      tpu.enqueue_indirect_dma source(%arg10 : memref<512x64xf32, #tpu.memory_space<vmem>>) target(%dma_start3A_62 : memref<10240x64xf32, #tpu.memory_space<vmem_shared>>) offsets(%arg8 : memref<512xi32, #tpu.memory_space<vmem>>) semaphore(%arg18 : memref<!tpu.dma_semaphore, #tpu.memory_space<semaphore_mem>>) {add = true}
      %add3A_63 = arith.constant 1 : i32
      %add3A_64 = arith.addi %add3A_53, %add3A_63 : i32
      %lt3A = arith.constant 40 : i32
      %lt3A_65 = arith.cmpi slt, %add3A_64, %lt3A : i32
      %convert_element_type3A = arith.extui %lt3A_65 : i1 to i32
      %cond3A = arith.constant 0 : i32
      %cond3A_66 = arith.cmpi ne, %convert_element_type3A, %cond3A : i32
      scf.if %cond3A_66 {
        %add3A_108 = arith.addi %mul3A_19, %add3A_64 : i32
        %dma_wait3A_109 = arith.constant 0 : i32
        %dma_wait3A_110 = tpu.memref_slice %arg3[%add3A_108, %dma_wait3A_109] : memref<640x512xi32, #tpu.memory_space<hbm>> -> memref<1x512xi32, #tpu.memory_space<hbm>>
        %dma_wait3A_111 = tpu.memref_squeeze %dma_wait3A_110 : memref<1x512xi32, #tpu.memory_space<hbm>> -> memref<512xi32, #tpu.memory_space<hbm>>
        %dma_wait3A_112 = arith.constant 0 : i32
        %dma_wait3A_113 = tpu.memref_slice %arg3[%add3A_108, %dma_wait3A_112] : memref<640x512xi32, #tpu.memory_space<hbm>> -> memref<1x512xi32, #tpu.memory_space<hbm>>
        %dma_wait3A_114 = tpu.memref_squeeze %dma_wait3A_113 : memref<1x512xi32, #tpu.memory_space<hbm>> -> memref<512xi32, #tpu.memory_space<hbm>>
        tpu.wait_dma2 semaphore(%arg17 : memref<!tpu.dma_semaphore, #tpu.memory_space<semaphore_mem>>) src(%dma_wait3A_114 : memref<512xi32, #tpu.memory_space<hbm>>) dst(%arg7 : memref<512xi32, #tpu.memory_space<vmem>>)
        %add3A_115 = arith.addi %mul3A_19, %add3A_64 : i32
        %dma_wait3A_116 = arith.constant 0 : i32
        %dma_wait3A_117 = tpu.memref_slice %arg4[%add3A_115, %dma_wait3A_116] : memref<640x512xi32, #tpu.memory_space<hbm>> -> memref<1x512xi32, #tpu.memory_space<hbm>>
        %dma_wait3A_118 = tpu.memref_squeeze %dma_wait3A_117 : memref<1x512xi32, #tpu.memory_space<hbm>> -> memref<512xi32, #tpu.memory_space<hbm>>
        %dma_wait3A_119 = arith.constant 0 : i32
        %dma_wait3A_120 = tpu.memref_slice %arg4[%add3A_115, %dma_wait3A_119] : memref<640x512xi32, #tpu.memory_space<hbm>> -> memref<1x512xi32, #tpu.memory_space<hbm>>
        %dma_wait3A_121 = tpu.memref_squeeze %dma_wait3A_120 : memref<1x512xi32, #tpu.memory_space<hbm>> -> memref<512xi32, #tpu.memory_space<hbm>>
        tpu.wait_dma2 semaphore(%arg17 : memref<!tpu.dma_semaphore, #tpu.memory_space<semaphore_mem>>) src(%dma_wait3A_121 : memref<512xi32, #tpu.memory_space<hbm>>) dst(%arg9 : memref<512xi32, #tpu.memory_space<vmem>>)
        %dma_start3A_122 = arith.constant 0 : i32
        %dma_start3A_123 = arith.constant 0 : i32
        %dma_start3A_124 = tpu.memref_slice %arg2[%arg0, %dma_start3A_122, %dma_start3A_123] : memref<2x10240x64xf32, #tpu.memory_space<hbm>> -> memref<1x10240x64xf32, #tpu.memory_space<hbm>>
        %dma_start3A_125 = tpu.memref_squeeze %dma_start3A_124 : memref<1x10240x64xf32, #tpu.memory_space<hbm>> -> memref<10240x64xf32, #tpu.memory_space<hbm>>
        %dma_start3A_126 = arith.constant 0 : i32
        %dma_start3A_127 = arith.constant 0 : i32
        %dma_start3A_128 = tpu.memref_slice %dma_start3A_125[%dma_start3A_126, %dma_start3A_127] : memref<10240x64xf32, #tpu.memory_space<hbm>> -> memref<10240x64xf32, #tpu.memory_space<hbm>>
        tpu.enqueue_indirect_dma source(%dma_start3A_128 : memref<10240x64xf32, #tpu.memory_space<hbm>>) target(%arg11 : memref<512x64xf32, #tpu.memory_space<vmem>>) offsets(%arg7 : memref<512xi32, #tpu.memory_space<vmem>>) semaphore(%arg15 : memref<!tpu.dma_semaphore, #tpu.memory_space<semaphore_mem>>)
      } else {
      }
      %dma_wait3A_67 = arith.constant 0 : i32
      %dma_wait3A_68 = arith.constant 0 : i32
      %dma_wait3A_69 = tpu.memref_slice %arg13[%dma_wait3A_67, %dma_wait3A_68] : memref<10240x64xf32, #tpu.memory_space<vmem_shared>> -> memref<10240x64xf32, #tpu.memory_space<vmem_shared>>
      tpu.wait_indirect_dma semaphore(%arg18 : memref<!tpu.dma_semaphore, #tpu.memory_space<semaphore_mem>>) src(%arg10 : memref<512x64xf32, #tpu.memory_space<vmem>>) dst(%dma_wait3A_69 : memref<10240x64xf32, #tpu.memory_space<vmem_shared>>)
      %add3A_70 = arith.constant 2 : i32
      %add3A_71 = arith.addi %add3A_53, %add3A_70 : i32
      %lt3A_72 = arith.constant 40 : i32
      %lt3A_73 = arith.cmpi slt, %add3A_71, %lt3A_72 : i32
      %convert_element_type3A_74 = arith.extui %lt3A_73 : i1 to i32
      %cond3A_75 = arith.constant 0 : i32
      %cond3A_76 = arith.cmpi ne, %convert_element_type3A_74, %cond3A_75 : i32
      scf.if %cond3A_76 {
        %add3A_108 = arith.addi %mul3A_19, %add3A_53 : i32
        %add3A_109 = arith.constant 2 : i32
        %add3A_110 = arith.addi %add3A_108, %add3A_109 : i32
        %dma_start3A_111 = arith.constant 0 : i32
        %dma_start3A_112 = tpu.memref_slice %arg3[%add3A_110, %dma_start3A_111] : memref<640x512xi32, #tpu.memory_space<hbm>> -> memref<1x512xi32, #tpu.memory_space<hbm>>
        %dma_start3A_113 = tpu.memref_squeeze %dma_start3A_112 : memref<1x512xi32, #tpu.memory_space<hbm>> -> memref<512xi32, #tpu.memory_space<hbm>>
        %dma_start3A_114 = arith.constant 0 : i32
        %dma_start3A_115 = tpu.memref_slice %arg3[%add3A_110, %dma_start3A_114] : memref<640x512xi32, #tpu.memory_space<hbm>> -> memref<1x512xi32, #tpu.memory_space<hbm>>
        %dma_start3A_116 = tpu.memref_squeeze %dma_start3A_115 : memref<1x512xi32, #tpu.memory_space<hbm>> -> memref<512xi32, #tpu.memory_space<hbm>>
        tpu.enqueue_dma source(%dma_start3A_116 : memref<512xi32, #tpu.memory_space<hbm>>) target(%arg6 : memref<512xi32, #tpu.memory_space<vmem>>) target_semaphore(%arg16 : memref<!tpu.dma_semaphore, #tpu.memory_space<semaphore_mem>>)
        %add3A_117 = arith.addi %mul3A_19, %add3A_53 : i32
        %add3A_118 = arith.constant 2 : i32
        %add3A_119 = arith.addi %add3A_117, %add3A_118 : i32
        %dma_start3A_120 = arith.constant 0 : i32
        %dma_start3A_121 = tpu.memref_slice %arg4[%add3A_119, %dma_start3A_120] : memref<640x512xi32, #tpu.memory_space<hbm>> -> memref<1x512xi32, #tpu.memory_space<hbm>>
        %dma_start3A_122 = tpu.memref_squeeze %dma_start3A_121 : memref<1x512xi32, #tpu.memory_space<hbm>> -> memref<512xi32, #tpu.memory_space<hbm>>
        %dma_start3A_123 = arith.constant 0 : i32
        %dma_start3A_124 = tpu.memref_slice %arg4[%add3A_119, %dma_start3A_123] : memref<640x512xi32, #tpu.memory_space<hbm>> -> memref<1x512xi32, #tpu.memory_space<hbm>>
        %dma_start3A_125 = tpu.memref_squeeze %dma_start3A_124 : memref<1x512xi32, #tpu.memory_space<hbm>> -> memref<512xi32, #tpu.memory_space<hbm>>
        tpu.enqueue_dma source(%dma_start3A_125 : memref<512xi32, #tpu.memory_space<hbm>>) target(%arg8 : memref<512xi32, #tpu.memory_space<vmem>>) target_semaphore(%arg16 : memref<!tpu.dma_semaphore, #tpu.memory_space<semaphore_mem>>)
      } else {
      }
      %mul3A_77 = arith.constant 2 : i32
      %mul3A_78 = arith.muli %mul3A_77, %scan3A_49 : i32
      %add3A_79 = arith.constant 1 : i32
      %add3A_80 = arith.addi %mul3A_78, %add3A_79 : i32
      %dma_wait3A_81 = arith.constant 0 : i32
      %dma_wait3A_82 = arith.constant 0 : i32
      %dma_wait3A_83 = tpu.memref_slice %arg2[%arg0, %dma_wait3A_81, %dma_wait3A_82] : memref<2x10240x64xf32, #tpu.memory_space<hbm>> -> memref<1x10240x64xf32, #tpu.memory_space<hbm>>
      %dma_wait3A_84 = tpu.memref_squeeze %dma_wait3A_83 : memref<1x10240x64xf32, #tpu.memory_space<hbm>> -> memref<10240x64xf32, #tpu.memory_space<hbm>>
      %dma_wait3A_85 = arith.constant 0 : i32
      %dma_wait3A_86 = arith.constant 0 : i32
      %dma_wait3A_87 = tpu.memref_slice %dma_wait3A_84[%dma_wait3A_85, %dma_wait3A_86] : memref<10240x64xf32, #tpu.memory_space<hbm>> -> memref<10240x64xf32, #tpu.memory_space<hbm>>
      tpu.wait_indirect_dma semaphore(%arg15 : memref<!tpu.dma_semaphore, #tpu.memory_space<semaphore_mem>>) src(%dma_wait3A_87 : memref<10240x64xf32, #tpu.memory_space<hbm>>) dst(%arg11 : memref<512x64xf32, #tpu.memory_space<vmem>>)
      %dma_start3A_88 = arith.constant 0 : i32
      %dma_start3A_89 = arith.constant 0 : i32
      %dma_start3A_90 = tpu.memref_slice %arg13[%dma_start3A_88, %dma_start3A_89] : memref<10240x64xf32, #tpu.memory_space<vmem_shared>> -> memref<10240x64xf32, #tpu.memory_space<vmem_shared>>
      tpu.enqueue_indirect_dma source(%arg11 : memref<512x64xf32, #tpu.memory_space<vmem>>) target(%dma_start3A_90 : memref<10240x64xf32, #tpu.memory_space<vmem_shared>>) offsets(%arg9 : memref<512xi32, #tpu.memory_space<vmem>>) semaphore(%arg19 : memref<!tpu.dma_semaphore, #tpu.memory_space<semaphore_mem>>) {add = true}
      %add3A_91 = arith.constant 1 : i32
      %add3A_92 = arith.addi %add3A_80, %add3A_91 : i32
      %lt3A_93 = arith.constant 40 : i32
      %lt3A_94 = arith.cmpi slt, %add3A_92, %lt3A_93 : i32
      %convert_element_type3A_95 = arith.extui %lt3A_94 : i1 to i32
      %cond3A_96 = arith.constant 0 : i32
      %cond3A_97 = arith.cmpi ne, %convert_element_type3A_95, %cond3A_96 : i32
      scf.if %cond3A_97 {
        %add3A_108 = arith.addi %mul3A_19, %add3A_92 : i32
        %dma_wait3A_109 = arith.constant 0 : i32
        %dma_wait3A_110 = tpu.memref_slice %arg3[%add3A_108, %dma_wait3A_109] : memref<640x512xi32, #tpu.memory_space<hbm>> -> memref<1x512xi32, #tpu.memory_space<hbm>>
        %dma_wait3A_111 = tpu.memref_squeeze %dma_wait3A_110 : memref<1x512xi32, #tpu.memory_space<hbm>> -> memref<512xi32, #tpu.memory_space<hbm>>
        %dma_wait3A_112 = arith.constant 0 : i32
        %dma_wait3A_113 = tpu.memref_slice %arg3[%add3A_108, %dma_wait3A_112] : memref<640x512xi32, #tpu.memory_space<hbm>> -> memref<1x512xi32, #tpu.memory_space<hbm>>
        %dma_wait3A_114 = tpu.memref_squeeze %dma_wait3A_113 : memref<1x512xi32, #tpu.memory_space<hbm>> -> memref<512xi32, #tpu.memory_space<hbm>>
        tpu.wait_dma2 semaphore(%arg16 : memref<!tpu.dma_semaphore, #tpu.memory_space<semaphore_mem>>) src(%dma_wait3A_114 : memref<512xi32, #tpu.memory_space<hbm>>) dst(%arg6 : memref<512xi32, #tpu.memory_space<vmem>>)
        %add3A_115 = arith.addi %mul3A_19, %add3A_92 : i32
        %dma_wait3A_116 = arith.constant 0 : i32
        %dma_wait3A_117 = tpu.memref_slice %arg4[%add3A_115, %dma_wait3A_116] : memref<640x512xi32, #tpu.memory_space<hbm>> -> memref<1x512xi32, #tpu.memory_space<hbm>>
        %dma_wait3A_118 = tpu.memref_squeeze %dma_wait3A_117 : memref<1x512xi32, #tpu.memory_space<hbm>> -> memref<512xi32, #tpu.memory_space<hbm>>
        %dma_wait3A_119 = arith.constant 0 : i32
        %dma_wait3A_120 = tpu.memref_slice %arg4[%add3A_115, %dma_wait3A_119] : memref<640x512xi32, #tpu.memory_space<hbm>> -> memref<1x512xi32, #tpu.memory_space<hbm>>
        %dma_wait3A_121 = tpu.memref_squeeze %dma_wait3A_120 : memref<1x512xi32, #tpu.memory_space<hbm>> -> memref<512xi32, #tpu.memory_space<hbm>>
        tpu.wait_dma2 semaphore(%arg16 : memref<!tpu.dma_semaphore, #tpu.memory_space<semaphore_mem>>) src(%dma_wait3A_121 : memref<512xi32, #tpu.memory_space<hbm>>) dst(%arg8 : memref<512xi32, #tpu.memory_space<vmem>>)
        %dma_start3A_122 = arith.constant 0 : i32
        %dma_start3A_123 = arith.constant 0 : i32
        %dma_start3A_124 = tpu.memref_slice %arg2[%arg0, %dma_start3A_122, %dma_start3A_123] : memref<2x10240x64xf32, #tpu.memory_space<hbm>> -> memref<1x10240x64xf32, #tpu.memory_space<hbm>>
        %dma_start3A_125 = tpu.memref_squeeze %dma_start3A_124 : memref<1x10240x64xf32, #tpu.memory_space<hbm>> -> memref<10240x64xf32, #tpu.memory_space<hbm>>
        %dma_start3A_126 = arith.constant 0 : i32
        %dma_start3A_127 = arith.constant 0 : i32
        %dma_start3A_128 = tpu.memref_slice %dma_start3A_125[%dma_start3A_126, %dma_start3A_127] : memref<10240x64xf32, #tpu.memory_space<hbm>> -> memref<10240x64xf32, #tpu.memory_space<hbm>>
        tpu.enqueue_indirect_dma source(%dma_start3A_128 : memref<10240x64xf32, #tpu.memory_space<hbm>>) target(%arg10 : memref<512x64xf32, #tpu.memory_space<vmem>>) offsets(%arg6 : memref<512xi32, #tpu.memory_space<vmem>>) semaphore(%arg14 : memref<!tpu.dma_semaphore, #tpu.memory_space<semaphore_mem>>)
      } else {
      }
      %dma_wait3A_98 = arith.constant 0 : i32
      %dma_wait3A_99 = arith.constant 0 : i32
      %dma_wait3A_100 = tpu.memref_slice %arg13[%dma_wait3A_98, %dma_wait3A_99] : memref<10240x64xf32, #tpu.memory_space<vmem_shared>> -> memref<10240x64xf32, #tpu.memory_space<vmem_shared>>
      tpu.wait_indirect_dma semaphore(%arg19 : memref<!tpu.dma_semaphore, #tpu.memory_space<semaphore_mem>>) src(%arg11 : memref<512x64xf32, #tpu.memory_space<vmem>>) dst(%dma_wait3A_100 : memref<10240x64xf32, #tpu.memory_space<vmem_shared>>)
      %add3A_101 = arith.constant 2 : i32
      %add3A_102 = arith.addi %add3A_80, %add3A_101 : i32
      %lt3A_103 = arith.constant 40 : i32
      %lt3A_104 = arith.cmpi slt, %add3A_102, %lt3A_103 : i32
      %convert_element_type3A_105 = arith.extui %lt3A_104 : i1 to i32
      %cond3A_106 = arith.constant 0 : i32
      %cond3A_107 = arith.cmpi ne, %convert_element_type3A_105, %cond3A_106 : i32
      scf.if %cond3A_107 {
        %add3A_108 = arith.addi %mul3A_19, %add3A_80 : i32
        %add3A_109 = arith.constant 2 : i32
        %add3A_110 = arith.addi %add3A_108, %add3A_109 : i32
        %dma_start3A_111 = arith.constant 0 : i32
        %dma_start3A_112 = tpu.memref_slice %arg3[%add3A_110, %dma_start3A_111] : memref<640x512xi32, #tpu.memory_space<hbm>> -> memref<1x512xi32, #tpu.memory_space<hbm>>
        %dma_start3A_113 = tpu.memref_squeeze %dma_start3A_112 : memref<1x512xi32, #tpu.memory_space<hbm>> -> memref<512xi32, #tpu.memory_space<hbm>>
        %dma_start3A_114 = arith.constant 0 : i32
        %dma_start3A_115 = tpu.memref_slice %arg3[%add3A_110, %dma_start3A_114] : memref<640x512xi32, #tpu.memory_space<hbm>> -> memref<1x512xi32, #tpu.memory_space<hbm>>
        %dma_start3A_116 = tpu.memref_squeeze %dma_start3A_115 : memref<1x512xi32, #tpu.memory_space<hbm>> -> memref<512xi32, #tpu.memory_space<hbm>>
        tpu.enqueue_dma source(%dma_start3A_116 : memref<512xi32, #tpu.memory_space<hbm>>) target(%arg7 : memref<512xi32, #tpu.memory_space<vmem>>) target_semaphore(%arg17 : memref<!tpu.dma_semaphore, #tpu.memory_space<semaphore_mem>>)
        %add3A_117 = arith.addi %mul3A_19, %add3A_80 : i32
        %add3A_118 = arith.constant 2 : i32
        %add3A_119 = arith.addi %add3A_117, %add3A_118 : i32
        %dma_start3A_120 = arith.constant 0 : i32
        %dma_start3A_121 = tpu.memref_slice %arg4[%add3A_119, %dma_start3A_120] : memref<640x512xi32, #tpu.memory_space<hbm>> -> memref<1x512xi32, #tpu.memory_space<hbm>>
        %dma_start3A_122 = tpu.memref_squeeze %dma_start3A_121 : memref<1x512xi32, #tpu.memory_space<hbm>> -> memref<512xi32, #tpu.memory_space<hbm>>
        %dma_start3A_123 = arith.constant 0 : i32
        %dma_start3A_124 = tpu.memref_slice %arg4[%add3A_119, %dma_start3A_123] : memref<640x512xi32, #tpu.memory_space<hbm>> -> memref<1x512xi32, #tpu.memory_space<hbm>>
        %dma_start3A_125 = tpu.memref_squeeze %dma_start3A_124 : memref<1x512xi32, #tpu.memory_space<hbm>> -> memref<512xi32, #tpu.memory_space<hbm>>
        tpu.enqueue_dma source(%dma_start3A_125 : memref<512xi32, #tpu.memory_space<hbm>>) target(%arg9 : memref<512xi32, #tpu.memory_space<vmem>>) target_semaphore(%arg17 : memref<!tpu.dma_semaphore, #tpu.memory_space<semaphore_mem>>)
      } else {
      }
    }
    %scan3A_47 = arith.constant 20 : i32
    %barrier3A_48 = arith.constant 0 : index
    tpu.barrier barrier_id(%barrier3A_48)
    "tpu.region"() ({
      %run_scoped3A = tpu.sem_alloc : memref<!tpu.dma_semaphore, #tpu.memory_space<semaphore_mem>>
      %dma_start3A_49 = arith.constant 0 : i32
      %dma_start3A_50 = arith.constant 0 : i32
      %dma_start3A_51 = tpu.memref_slice %arg5[%arg0, %dma_start3A_49, %dma_start3A_50] : memref<2x10240x64xf32, #tpu.memory_space<hbm>> -> memref<1x10240x64xf32, #tpu.memory_space<hbm>>
      %dma_start3A_52 = tpu.memref_squeeze %dma_start3A_51 : memref<1x10240x64xf32, #tpu.memory_space<hbm>> -> memref<10240x64xf32, #tpu.memory_space<hbm>>
      %dma_start3A_53 = arith.constant 0 : i32
      %dma_start3A_54 = tpu.memref_slice %dma_start3A_52[%mul3A_0, %dma_start3A_53] : memref<10240x64xf32, #tpu.memory_space<hbm>> -> memref<640x64xf32, #tpu.memory_space<hbm>>
      %dma_start3A_55 = arith.constant 0 : i32
      %dma_start3A_56 = tpu.memref_slice %arg13[%mul3A_0, %dma_start3A_55] : memref<10240x64xf32, #tpu.memory_space<vmem_shared>> -> memref<640x64xf32, #tpu.memory_space<vmem_shared>>
      tpu.enqueue_dma source(%dma_start3A_56 : memref<640x64xf32, #tpu.memory_space<vmem_shared>>) target(%dma_start3A_54 : memref<640x64xf32, #tpu.memory_space<hbm>>) target_semaphore(%run_scoped3A : memref<!tpu.dma_semaphore, #tpu.memory_space<semaphore_mem>>)
      %dma_wait3A = arith.constant 0 : i32
      %dma_wait3A_57 = arith.constant 0 : i32
      %dma_wait3A_58 = tpu.memref_slice %arg5[%arg0, %dma_wait3A, %dma_wait3A_57] : memref<2x10240x64xf32, #tpu.memory_space<hbm>> -> memref<1x10240x64xf32, #tpu.memory_space<hbm>>
      %dma_wait3A_59 = tpu.memref_squeeze %dma_wait3A_58 : memref<1x10240x64xf32, #tpu.memory_space<hbm>> -> memref<10240x64xf32, #tpu.memory_space<hbm>>
      %dma_wait3A_60 = arith.constant 0 : i32
      %dma_wait3A_61 = tpu.memref_slice %dma_wait3A_59[%mul3A_0, %dma_wait3A_60] : memref<10240x64xf32, #tpu.memory_space<hbm>> -> memref<640x64xf32, #tpu.memory_space<hbm>>
      %dma_wait3A_62 = arith.constant 0 : i32
      %dma_wait3A_63 = tpu.memref_slice %arg13[%mul3A_0, %dma_wait3A_62] : memref<10240x64xf32, #tpu.memory_space<vmem_shared>> -> memref<640x64xf32, #tpu.memory_space<vmem_shared>>
      tpu.wait_dma2 semaphore(%run_scoped3A : memref<!tpu.dma_semaphore, #tpu.memory_space<semaphore_mem>>) src(%dma_wait3A_63 : memref<640x64xf32, #tpu.memory_space<vmem_shared>>) dst(%dma_wait3A_61 : memref<640x64xf32, #tpu.memory_space<hbm>>)
      tpu.yield
    }) : () -> ()
    return
  }
}

#map = affine_map<(d0, d1) -> (0, 0, 0)>
#map1 = affine_map<(d0, d1) -> (0, 0)>
#map2 = affine_map<(d0, d1) -> (0)>
module attributes {stable_mosaic.version = 14 : i64} {
  func.func @seg(%arg0: i32, %arg1: i32, %arg2: memref<2x10240x64xf32, #tpu.memory_space<hbm>>, %arg3: memref<640x512xi32, #tpu.memory_space<hbm>>, %arg4: memref<640x512xi32, #tpu.memory_space<hbm>>, %arg5: memref<2x10240x64xf32, #tpu.memory_space<hbm>>, %arg6: memref<163840xf32, #tpu.memory_space<hbm>>, %arg7: memref<512xi32, #tpu.memory_space<vmem>>, %arg8: memref<512xi32, #tpu.memory_space<vmem>>, %arg9: memref<512xi32, #tpu.memory_space<vmem>>, %arg10: memref<512xi32, #tpu.memory_space<vmem>>, %arg11: memref<512x64xf32, #tpu.memory_space<vmem>>, %arg12: memref<512x64xf32, #tpu.memory_space<vmem>>, %arg13: memref<10240xf32, #tpu.memory_space<vmem>>, %arg14: memref<10240x64xf32, #tpu.memory_space<vmem_shared>>, %arg15: memref<!tpu.dma_semaphore, #tpu.memory_space<semaphore_mem>>, %arg16: memref<!tpu.dma_semaphore, #tpu.memory_space<semaphore_mem>>, %arg17: memref<!tpu.dma_semaphore, #tpu.memory_space<semaphore_mem>>, %arg18: memref<!tpu.dma_semaphore, #tpu.memory_space<semaphore_mem>>, %arg19: memref<!tpu.dma_semaphore, #tpu.memory_space<semaphore_mem>>, %arg20: memref<!tpu.dma_semaphore, #tpu.memory_space<semaphore_mem>>) attributes {dimension_semantics = [#tpu.dimension_semantics<core_parallel>, #tpu.dimension_semantics<subcore_parallel>], iteration_bounds = array<i64: 2, 16>, scalar_prefetch = 0 : i64, scratch_operands = 14 : i64, tpu.core_type = #tpu.core_type<sc_vector_subcore>, window_params = [{transform_indices = #map}, {transform_indices = #map1}, {transform_indices = #map1}, {transform_indices = #map}, {transform_indices = #map2}]} {
    %mul3A = arith.constant 640 : i32
    %mul3A_0 = arith.muli %arg1, %mul3A : i32
    %broadcast_in_dim3A = arith.constant 0.000000e+00 : f32
    %broadcast_in_dim3A_1 = vector.broadcast %broadcast_in_dim3A : f32 to vector<16xf32>
    %scan3A = arith.constant 0 : i32
    %scan3A_2 = arith.constant 0 : i32
    %scan3A_3 = arith.constant 128 : i32
    %scan3A_4 = arith.addi %scan3A_2, %scan3A_3 : i32
    %scan3A_5 = arith.constant 1 : i32
    scf.for %scan3A_57 = %scan3A_2 to %scan3A_4 step %scan3A_5  : i32 {
      %swap3A = arith.constant 0 : i32
      %swap3A_58 = arith.constant 0 : i32
      %swap3A_59 = tpu.memref_slice %arg11[%swap3A, %swap3A_58] : memref<512x64xf32, #tpu.memory_space<vmem>> -> memref<128x64xf32, #tpu.memory_space<vmem>>
      %swap3A_60 = arith.index_cast %scan3A_57 : i32 to index
      %swap3A_61 = arith.constant 0 : index
      %swap3A_62 = tpu.vector_load %swap3A_59[%swap3A_60, %swap3A_61] {strides = array<i32>} : memref<128x64xf32, #tpu.memory_space<vmem>>, vector<16xf32>,
      tpu.vector_store %swap3A_59[%swap3A_60, %swap3A_61], %broadcast_in_dim3A_1 {strides = array<i32>} : memref<128x64xf32, #tpu.memory_space<vmem>>, vector<16xf32>,
      %swap3A_63 = arith.constant 0 : i32
      %swap3A_64 = arith.constant 0 : i32
      %swap3A_65 = tpu.memref_slice %arg11[%swap3A_63, %swap3A_64] : memref<512x64xf32, #tpu.memory_space<vmem>> -> memref<128x64xf32, #tpu.memory_space<vmem>>
      %swap3A_66 = arith.index_cast %scan3A_57 : i32 to index
      %swap3A_67 = arith.constant 16 : index
      %swap3A_68 = tpu.vector_load %swap3A_65[%swap3A_66, %swap3A_67] {strides = array<i32>} : memref<128x64xf32, #tpu.memory_space<vmem>>, vector<16xf32>,
      tpu.vector_store %swap3A_65[%swap3A_66, %swap3A_67], %broadcast_in_dim3A_1 {strides = array<i32>} : memref<128x64xf32, #tpu.memory_space<vmem>>, vector<16xf32>,
      %swap3A_69 = arith.constant 0 : i32
      %swap3A_70 = arith.constant 0 : i32
      %swap3A_71 = tpu.memref_slice %arg11[%swap3A_69, %swap3A_70] : memref<512x64xf32, #tpu.memory_space<vmem>> -> memref<128x64xf32, #tpu.memory_space<vmem>>
      %swap3A_72 = arith.index_cast %scan3A_57 : i32 to index
      %swap3A_73 = arith.constant 32 : index
      %swap3A_74 = tpu.vector_load %swap3A_71[%swap3A_72, %swap3A_73] {strides = array<i32>} : memref<128x64xf32, #tpu.memory_space<vmem>>, vector<16xf32>,
      tpu.vector_store %swap3A_71[%swap3A_72, %swap3A_73], %broadcast_in_dim3A_1 {strides = array<i32>} : memref<128x64xf32, #tpu.memory_space<vmem>>, vector<16xf32>,
      %swap3A_75 = arith.constant 0 : i32
      %swap3A_76 = arith.constant 0 : i32
      %swap3A_77 = tpu.memref_slice %arg11[%swap3A_75, %swap3A_76] : memref<512x64xf32, #tpu.memory_space<vmem>> -> memref<128x64xf32, #tpu.memory_space<vmem>>
      %swap3A_78 = arith.index_cast %scan3A_57 : i32 to index
      %swap3A_79 = arith.constant 48 : index
      %swap3A_80 = tpu.vector_load %swap3A_77[%swap3A_78, %swap3A_79] {strides = array<i32>} : memref<128x64xf32, #tpu.memory_space<vmem>>, vector<16xf32>,
      tpu.vector_store %swap3A_77[%swap3A_78, %swap3A_79], %broadcast_in_dim3A_1 {strides = array<i32>} : memref<128x64xf32, #tpu.memory_space<vmem>>, vector<16xf32>,
    }
    %scan3A_6 = arith.constant 128 : i32
    %add3A = arith.constant 0 : i32
    %add3A_7 = arith.addi %mul3A_0, %add3A : i32
    "tpu.region"() ({
      %run_scoped3A = tpu.sem_alloc : memref<!tpu.dma_semaphore, #tpu.memory_space<semaphore_mem>>
      %dma_start3A_57 = arith.constant 0 : i32
      %dma_start3A_58 = arith.constant 0 : i32
      %dma_start3A_59 = tpu.memref_slice %arg11[%dma_start3A_57, %dma_start3A_58] : memref<512x64xf32, #tpu.memory_space<vmem>> -> memref<128x64xf32, #tpu.memory_space<vmem>>
      %dma_start3A_60 = arith.constant 0 : i32
      %dma_start3A_61 = tpu.memref_slice %arg14[%add3A_7, %dma_start3A_60] : memref<10240x64xf32, #tpu.memory_space<vmem_shared>> -> memref<128x64xf32, #tpu.memory_space<vmem_shared>>
      %dma_start3A_62 = arith.constant 0 : i32
      %dma_start3A_63 = tpu.memref_slice %arg14[%add3A_7, %dma_start3A_62] : memref<10240x64xf32, #tpu.memory_space<vmem_shared>> -> memref<128x64xf32, #tpu.memory_space<vmem_shared>>
      %dma_start3A_64 = arith.constant 0 : i32
      %dma_start3A_65 = arith.constant 0 : i32
      %dma_start3A_66 = tpu.memref_slice %arg11[%dma_start3A_64, %dma_start3A_65] : memref<512x64xf32, #tpu.memory_space<vmem>> -> memref<128x64xf32, #tpu.memory_space<vmem>>
      tpu.enqueue_dma source(%dma_start3A_66 : memref<128x64xf32, #tpu.memory_space<vmem>>) target(%dma_start3A_63 : memref<128x64xf32, #tpu.memory_space<vmem_shared>>) target_semaphore(%run_scoped3A : memref<!tpu.dma_semaphore, #tpu.memory_space<semaphore_mem>>)
      %dma_wait3A = arith.constant 0 : i32
      %dma_wait3A_67 = arith.constant 0 : i32
      %dma_wait3A_68 = tpu.memref_slice %arg11[%dma_wait3A, %dma_wait3A_67] : memref<512x64xf32, #tpu.memory_space<vmem>> -> memref<128x64xf32, #tpu.memory_space<vmem>>
      %dma_wait3A_69 = arith.constant 0 : i32
      %dma_wait3A_70 = tpu.memref_slice %arg14[%add3A_7, %dma_wait3A_69] : memref<10240x64xf32, #tpu.memory_space<vmem_shared>> -> memref<128x64xf32, #tpu.memory_space<vmem_shared>>
      %dma_wait3A_71 = arith.constant 0 : i32
      %dma_wait3A_72 = tpu.memref_slice %arg14[%add3A_7, %dma_wait3A_71] : memref<10240x64xf32, #tpu.memory_space<vmem_shared>> -> memref<128x64xf32, #tpu.memory_space<vmem_shared>>
      %dma_wait3A_73 = arith.constant 0 : i32
      %dma_wait3A_74 = arith.constant 0 : i32
      %dma_wait3A_75 = tpu.memref_slice %arg11[%dma_wait3A_73, %dma_wait3A_74] : memref<512x64xf32, #tpu.memory_space<vmem>> -> memref<128x64xf32, #tpu.memory_space<vmem>>
      tpu.wait_dma2 semaphore(%run_scoped3A : memref<!tpu.dma_semaphore, #tpu.memory_space<semaphore_mem>>) src(%dma_wait3A_75 : memref<128x64xf32, #tpu.memory_space<vmem>>) dst(%dma_wait3A_72 : memref<128x64xf32, #tpu.memory_space<vmem_shared>>)
      tpu.yield
    }) : () -> ()
    %add3A_8 = arith.constant 128 : i32
    %add3A_9 = arith.addi %mul3A_0, %add3A_8 : i32
    "tpu.region"() ({
      %run_scoped3A = tpu.sem_alloc : memref<!tpu.dma_semaphore, #tpu.memory_space<semaphore_mem>>
      %dma_start3A_57 = arith.constant 0 : i32
      %dma_start3A_58 = arith.constant 0 : i32
      %dma_start3A_59 = tpu.memref_slice %arg11[%dma_start3A_57, %dma_start3A_58] : memref<512x64xf32, #tpu.memory_space<vmem>> -> memref<128x64xf32, #tpu.memory_space<vmem>>
      %dma_start3A_60 = arith.constant 0 : i32
      %dma_start3A_61 = tpu.memref_slice %arg14[%add3A_9, %dma_start3A_60] : memref<10240x64xf32, #tpu.memory_space<vmem_shared>> -> memref<128x64xf32, #tpu.memory_space<vmem_shared>>
      %dma_start3A_62 = arith.constant 0 : i32
      %dma_start3A_63 = tpu.memref_slice %arg14[%add3A_9, %dma_start3A_62] : memref<10240x64xf32, #tpu.memory_space<vmem_shared>> -> memref<128x64xf32, #tpu.memory_space<vmem_shared>>
      %dma_start3A_64 = arith.constant 0 : i32
      %dma_start3A_65 = arith.constant 0 : i32
      %dma_start3A_66 = tpu.memref_slice %arg11[%dma_start3A_64, %dma_start3A_65] : memref<512x64xf32, #tpu.memory_space<vmem>> -> memref<128x64xf32, #tpu.memory_space<vmem>>
      tpu.enqueue_dma source(%dma_start3A_66 : memref<128x64xf32, #tpu.memory_space<vmem>>) target(%dma_start3A_63 : memref<128x64xf32, #tpu.memory_space<vmem_shared>>) target_semaphore(%run_scoped3A : memref<!tpu.dma_semaphore, #tpu.memory_space<semaphore_mem>>)
      %dma_wait3A = arith.constant 0 : i32
      %dma_wait3A_67 = arith.constant 0 : i32
      %dma_wait3A_68 = tpu.memref_slice %arg11[%dma_wait3A, %dma_wait3A_67] : memref<512x64xf32, #tpu.memory_space<vmem>> -> memref<128x64xf32, #tpu.memory_space<vmem>>
      %dma_wait3A_69 = arith.constant 0 : i32
      %dma_wait3A_70 = tpu.memref_slice %arg14[%add3A_9, %dma_wait3A_69] : memref<10240x64xf32, #tpu.memory_space<vmem_shared>> -> memref<128x64xf32, #tpu.memory_space<vmem_shared>>
      %dma_wait3A_71 = arith.constant 0 : i32
      %dma_wait3A_72 = tpu.memref_slice %arg14[%add3A_9, %dma_wait3A_71] : memref<10240x64xf32, #tpu.memory_space<vmem_shared>> -> memref<128x64xf32, #tpu.memory_space<vmem_shared>>
      %dma_wait3A_73 = arith.constant 0 : i32
      %dma_wait3A_74 = arith.constant 0 : i32
      %dma_wait3A_75 = tpu.memref_slice %arg11[%dma_wait3A_73, %dma_wait3A_74] : memref<512x64xf32, #tpu.memory_space<vmem>> -> memref<128x64xf32, #tpu.memory_space<vmem>>
      tpu.wait_dma2 semaphore(%run_scoped3A : memref<!tpu.dma_semaphore, #tpu.memory_space<semaphore_mem>>) src(%dma_wait3A_75 : memref<128x64xf32, #tpu.memory_space<vmem>>) dst(%dma_wait3A_72 : memref<128x64xf32, #tpu.memory_space<vmem_shared>>)
      tpu.yield
    }) : () -> ()
    %add3A_10 = arith.constant 256 : i32
    %add3A_11 = arith.addi %mul3A_0, %add3A_10 : i32
    "tpu.region"() ({
      %run_scoped3A = tpu.sem_alloc : memref<!tpu.dma_semaphore, #tpu.memory_space<semaphore_mem>>
      %dma_start3A_57 = arith.constant 0 : i32
      %dma_start3A_58 = arith.constant 0 : i32
      %dma_start3A_59 = tpu.memref_slice %arg11[%dma_start3A_57, %dma_start3A_58] : memref<512x64xf32, #tpu.memory_space<vmem>> -> memref<128x64xf32, #tpu.memory_space<vmem>>
      %dma_start3A_60 = arith.constant 0 : i32
      %dma_start3A_61 = tpu.memref_slice %arg14[%add3A_11, %dma_start3A_60] : memref<10240x64xf32, #tpu.memory_space<vmem_shared>> -> memref<128x64xf32, #tpu.memory_space<vmem_shared>>
      %dma_start3A_62 = arith.constant 0 : i32
      %dma_start3A_63 = tpu.memref_slice %arg14[%add3A_11, %dma_start3A_62] : memref<10240x64xf32, #tpu.memory_space<vmem_shared>> -> memref<128x64xf32, #tpu.memory_space<vmem_shared>>
      %dma_start3A_64 = arith.constant 0 : i32
      %dma_start3A_65 = arith.constant 0 : i32
      %dma_start3A_66 = tpu.memref_slice %arg11[%dma_start3A_64, %dma_start3A_65] : memref<512x64xf32, #tpu.memory_space<vmem>> -> memref<128x64xf32, #tpu.memory_space<vmem>>
      tpu.enqueue_dma source(%dma_start3A_66 : memref<128x64xf32, #tpu.memory_space<vmem>>) target(%dma_start3A_63 : memref<128x64xf32, #tpu.memory_space<vmem_shared>>) target_semaphore(%run_scoped3A : memref<!tpu.dma_semaphore, #tpu.memory_space<semaphore_mem>>)
      %dma_wait3A = arith.constant 0 : i32
      %dma_wait3A_67 = arith.constant 0 : i32
      %dma_wait3A_68 = tpu.memref_slice %arg11[%dma_wait3A, %dma_wait3A_67] : memref<512x64xf32, #tpu.memory_space<vmem>> -> memref<128x64xf32, #tpu.memory_space<vmem>>
      %dma_wait3A_69 = arith.constant 0 : i32
      %dma_wait3A_70 = tpu.memref_slice %arg14[%add3A_11, %dma_wait3A_69] : memref<10240x64xf32, #tpu.memory_space<vmem_shared>> -> memref<128x64xf32, #tpu.memory_space<vmem_shared>>
      %dma_wait3A_71 = arith.constant 0 : i32
      %dma_wait3A_72 = tpu.memref_slice %arg14[%add3A_11, %dma_wait3A_71] : memref<10240x64xf32, #tpu.memory_space<vmem_shared>> -> memref<128x64xf32, #tpu.memory_space<vmem_shared>>
      %dma_wait3A_73 = arith.constant 0 : i32
      %dma_wait3A_74 = arith.constant 0 : i32
      %dma_wait3A_75 = tpu.memref_slice %arg11[%dma_wait3A_73, %dma_wait3A_74] : memref<512x64xf32, #tpu.memory_space<vmem>> -> memref<128x64xf32, #tpu.memory_space<vmem>>
      tpu.wait_dma2 semaphore(%run_scoped3A : memref<!tpu.dma_semaphore, #tpu.memory_space<semaphore_mem>>) src(%dma_wait3A_75 : memref<128x64xf32, #tpu.memory_space<vmem>>) dst(%dma_wait3A_72 : memref<128x64xf32, #tpu.memory_space<vmem_shared>>)
      tpu.yield
    }) : () -> ()
    %add3A_12 = arith.constant 384 : i32
    %add3A_13 = arith.addi %mul3A_0, %add3A_12 : i32
    "tpu.region"() ({
      %run_scoped3A = tpu.sem_alloc : memref<!tpu.dma_semaphore, #tpu.memory_space<semaphore_mem>>
      %dma_start3A_57 = arith.constant 0 : i32
      %dma_start3A_58 = arith.constant 0 : i32
      %dma_start3A_59 = tpu.memref_slice %arg11[%dma_start3A_57, %dma_start3A_58] : memref<512x64xf32, #tpu.memory_space<vmem>> -> memref<128x64xf32, #tpu.memory_space<vmem>>
      %dma_start3A_60 = arith.constant 0 : i32
      %dma_start3A_61 = tpu.memref_slice %arg14[%add3A_13, %dma_start3A_60] : memref<10240x64xf32, #tpu.memory_space<vmem_shared>> -> memref<128x64xf32, #tpu.memory_space<vmem_shared>>
      %dma_start3A_62 = arith.constant 0 : i32
      %dma_start3A_63 = tpu.memref_slice %arg14[%add3A_13, %dma_start3A_62] : memref<10240x64xf32, #tpu.memory_space<vmem_shared>> -> memref<128x64xf32, #tpu.memory_space<vmem_shared>>
      %dma_start3A_64 = arith.constant 0 : i32
      %dma_start3A_65 = arith.constant 0 : i32
      %dma_start3A_66 = tpu.memref_slice %arg11[%dma_start3A_64, %dma_start3A_65] : memref<512x64xf32, #tpu.memory_space<vmem>> -> memref<128x64xf32, #tpu.memory_space<vmem>>
      tpu.enqueue_dma source(%dma_start3A_66 : memref<128x64xf32, #tpu.memory_space<vmem>>) target(%dma_start3A_63 : memref<128x64xf32, #tpu.memory_space<vmem_shared>>) target_semaphore(%run_scoped3A : memref<!tpu.dma_semaphore, #tpu.memory_space<semaphore_mem>>)
      %dma_wait3A = arith.constant 0 : i32
      %dma_wait3A_67 = arith.constant 0 : i32
      %dma_wait3A_68 = tpu.memref_slice %arg11[%dma_wait3A, %dma_wait3A_67] : memref<512x64xf32, #tpu.memory_space<vmem>> -> memref<128x64xf32, #tpu.memory_space<vmem>>
      %dma_wait3A_69 = arith.constant 0 : i32
      %dma_wait3A_70 = tpu.memref_slice %arg14[%add3A_13, %dma_wait3A_69] : memref<10240x64xf32, #tpu.memory_space<vmem_shared>> -> memref<128x64xf32, #tpu.memory_space<vmem_shared>>
      %dma_wait3A_71 = arith.constant 0 : i32
      %dma_wait3A_72 = tpu.memref_slice %arg14[%add3A_13, %dma_wait3A_71] : memref<10240x64xf32, #tpu.memory_space<vmem_shared>> -> memref<128x64xf32, #tpu.memory_space<vmem_shared>>
      %dma_wait3A_73 = arith.constant 0 : i32
      %dma_wait3A_74 = arith.constant 0 : i32
      %dma_wait3A_75 = tpu.memref_slice %arg11[%dma_wait3A_73, %dma_wait3A_74] : memref<512x64xf32, #tpu.memory_space<vmem>> -> memref<128x64xf32, #tpu.memory_space<vmem>>
      tpu.wait_dma2 semaphore(%run_scoped3A : memref<!tpu.dma_semaphore, #tpu.memory_space<semaphore_mem>>) src(%dma_wait3A_75 : memref<128x64xf32, #tpu.memory_space<vmem>>) dst(%dma_wait3A_72 : memref<128x64xf32, #tpu.memory_space<vmem_shared>>)
      tpu.yield
    }) : () -> ()
    %add3A_14 = arith.constant 512 : i32
    %add3A_15 = arith.addi %mul3A_0, %add3A_14 : i32
    "tpu.region"() ({
      %run_scoped3A = tpu.sem_alloc : memref<!tpu.dma_semaphore, #tpu.memory_space<semaphore_mem>>
      %dma_start3A_57 = arith.constant 0 : i32
      %dma_start3A_58 = arith.constant 0 : i32
      %dma_start3A_59 = tpu.memref_slice %arg11[%dma_start3A_57, %dma_start3A_58] : memref<512x64xf32, #tpu.memory_space<vmem>> -> memref<128x64xf32, #tpu.memory_space<vmem>>
      %dma_start3A_60 = arith.constant 0 : i32
      %dma_start3A_61 = tpu.memref_slice %arg14[%add3A_15, %dma_start3A_60] : memref<10240x64xf32, #tpu.memory_space<vmem_shared>> -> memref<128x64xf32, #tpu.memory_space<vmem_shared>>
      %dma_start3A_62 = arith.constant 0 : i32
      %dma_start3A_63 = tpu.memref_slice %arg14[%add3A_15, %dma_start3A_62] : memref<10240x64xf32, #tpu.memory_space<vmem_shared>> -> memref<128x64xf32, #tpu.memory_space<vmem_shared>>
      %dma_start3A_64 = arith.constant 0 : i32
      %dma_start3A_65 = arith.constant 0 : i32
      %dma_start3A_66 = tpu.memref_slice %arg11[%dma_start3A_64, %dma_start3A_65] : memref<512x64xf32, #tpu.memory_space<vmem>> -> memref<128x64xf32, #tpu.memory_space<vmem>>
      tpu.enqueue_dma source(%dma_start3A_66 : memref<128x64xf32, #tpu.memory_space<vmem>>) target(%dma_start3A_63 : memref<128x64xf32, #tpu.memory_space<vmem_shared>>) target_semaphore(%run_scoped3A : memref<!tpu.dma_semaphore, #tpu.memory_space<semaphore_mem>>)
      %dma_wait3A = arith.constant 0 : i32
      %dma_wait3A_67 = arith.constant 0 : i32
      %dma_wait3A_68 = tpu.memref_slice %arg11[%dma_wait3A, %dma_wait3A_67] : memref<512x64xf32, #tpu.memory_space<vmem>> -> memref<128x64xf32, #tpu.memory_space<vmem>>
      %dma_wait3A_69 = arith.constant 0 : i32
      %dma_wait3A_70 = tpu.memref_slice %arg14[%add3A_15, %dma_wait3A_69] : memref<10240x64xf32, #tpu.memory_space<vmem_shared>> -> memref<128x64xf32, #tpu.memory_space<vmem_shared>>
      %dma_wait3A_71 = arith.constant 0 : i32
      %dma_wait3A_72 = tpu.memref_slice %arg14[%add3A_15, %dma_wait3A_71] : memref<10240x64xf32, #tpu.memory_space<vmem_shared>> -> memref<128x64xf32, #tpu.memory_space<vmem_shared>>
      %dma_wait3A_73 = arith.constant 0 : i32
      %dma_wait3A_74 = arith.constant 0 : i32
      %dma_wait3A_75 = tpu.memref_slice %arg11[%dma_wait3A_73, %dma_wait3A_74] : memref<512x64xf32, #tpu.memory_space<vmem>> -> memref<128x64xf32, #tpu.memory_space<vmem>>
      tpu.wait_dma2 semaphore(%run_scoped3A : memref<!tpu.dma_semaphore, #tpu.memory_space<semaphore_mem>>) src(%dma_wait3A_75 : memref<128x64xf32, #tpu.memory_space<vmem>>) dst(%dma_wait3A_72 : memref<128x64xf32, #tpu.memory_space<vmem_shared>>)
      tpu.yield
    }) : () -> ()
    %scan3A_16 = arith.constant 0 : i32
    %scan3A_17 = arith.constant 0 : i32
    %scan3A_18 = arith.constant 640 : i32
    %scan3A_19 = arith.addi %scan3A_17, %scan3A_18 : i32
    %scan3A_20 = arith.constant 1 : i32
    scf.for %scan3A_57 = %scan3A_17 to %scan3A_19 step %scan3A_20  : i32 {
      %mul3A_58 = arith.constant 16 : i32
      %mul3A_59 = arith.muli %scan3A_57, %mul3A_58 : i32
      %swap3A = arith.index_cast %mul3A_59 : i32 to index
      %swap3A_60 = tpu.vector_load %arg13[%swap3A] {strides = array<i32>} : memref<10240xf32, #tpu.memory_space<vmem>>, vector<16xf32>,
      tpu.vector_store %arg13[%swap3A], %broadcast_in_dim3A_1 {strides = array<i32>} : memref<10240xf32, #tpu.memory_space<vmem>>, vector<16xf32>,
    }
    %scan3A_21 = arith.constant 640 : i32
    %barrier3A = arith.constant 0 : index
    tpu.barrier barrier_id(%barrier3A)
    %broadcast_in_dim3A_22 = arith.constant 1.000000e+00 : f32
    %broadcast_in_dim3A_23 = vector.broadcast %broadcast_in_dim3A_22 : f32 to vector<16xf32>
    %mul3A_24 = arith.constant 40 : i32
    %mul3A_25 = arith.muli %arg1, %mul3A_24 : i32
    "tpu.region"() ({
      %run_scoped3A = tpu.sem_alloc : memref<!tpu.dma_semaphore, #tpu.memory_space<semaphore_mem>>
      %dma_start3A_57 = arith.constant 0 : i32
      %dma_start3A_58 = tpu.memref_slice %arg3[%mul3A_25, %dma_start3A_57] : memref<640x512xi32, #tpu.memory_space<hbm>> -> memref<1x512xi32, #tpu.memory_space<hbm>>
      %dma_start3A_59 = tpu.memref_squeeze %dma_start3A_58 : memref<1x512xi32, #tpu.memory_space<hbm>> -> memref<512xi32, #tpu.memory_space<hbm>>
      %dma_start3A_60 = arith.constant 0 : i32
      %dma_start3A_61 = tpu.memref_slice %arg3[%mul3A_25, %dma_start3A_60] : memref<640x512xi32, #tpu.memory_space<hbm>> -> memref<1x512xi32, #tpu.memory_space<hbm>>
      %dma_start3A_62 = tpu.memref_squeeze %dma_start3A_61 : memref<1x512xi32, #tpu.memory_space<hbm>> -> memref<512xi32, #tpu.memory_space<hbm>>
      tpu.enqueue_dma source(%dma_start3A_62 : memref<512xi32, #tpu.memory_space<hbm>>) target(%arg7 : memref<512xi32, #tpu.memory_space<vmem>>) target_semaphore(%run_scoped3A : memref<!tpu.dma_semaphore, #tpu.memory_space<semaphore_mem>>)
      %dma_wait3A = arith.constant 0 : i32
      %dma_wait3A_63 = tpu.memref_slice %arg3[%mul3A_25, %dma_wait3A] : memref<640x512xi32, #tpu.memory_space<hbm>> -> memref<1x512xi32, #tpu.memory_space<hbm>>
      %dma_wait3A_64 = tpu.memref_squeeze %dma_wait3A_63 : memref<1x512xi32, #tpu.memory_space<hbm>> -> memref<512xi32, #tpu.memory_space<hbm>>
      %dma_wait3A_65 = arith.constant 0 : i32
      %dma_wait3A_66 = tpu.memref_slice %arg3[%mul3A_25, %dma_wait3A_65] : memref<640x512xi32, #tpu.memory_space<hbm>> -> memref<1x512xi32, #tpu.memory_space<hbm>>
      %dma_wait3A_67 = tpu.memref_squeeze %dma_wait3A_66 : memref<1x512xi32, #tpu.memory_space<hbm>> -> memref<512xi32, #tpu.memory_space<hbm>>
      tpu.wait_dma2 semaphore(%run_scoped3A : memref<!tpu.dma_semaphore, #tpu.memory_space<semaphore_mem>>) src(%dma_wait3A_67 : memref<512xi32, #tpu.memory_space<hbm>>) dst(%arg7 : memref<512xi32, #tpu.memory_space<vmem>>)
      tpu.yield
    }) : () -> ()
    "tpu.region"() ({
      %run_scoped3A = tpu.sem_alloc : memref<!tpu.dma_semaphore, #tpu.memory_space<semaphore_mem>>
      %dma_start3A_57 = arith.constant 0 : i32
      %dma_start3A_58 = tpu.memref_slice %arg4[%mul3A_25, %dma_start3A_57] : memref<640x512xi32, #tpu.memory_space<hbm>> -> memref<1x512xi32, #tpu.memory_space<hbm>>
      %dma_start3A_59 = tpu.memref_squeeze %dma_start3A_58 : memref<1x512xi32, #tpu.memory_space<hbm>> -> memref<512xi32, #tpu.memory_space<hbm>>
      %dma_start3A_60 = arith.constant 0 : i32
      %dma_start3A_61 = tpu.memref_slice %arg4[%mul3A_25, %dma_start3A_60] : memref<640x512xi32, #tpu.memory_space<hbm>> -> memref<1x512xi32, #tpu.memory_space<hbm>>
      %dma_start3A_62 = tpu.memref_squeeze %dma_start3A_61 : memref<1x512xi32, #tpu.memory_space<hbm>> -> memref<512xi32, #tpu.memory_space<hbm>>
      tpu.enqueue_dma source(%dma_start3A_62 : memref<512xi32, #tpu.memory_space<hbm>>) target(%arg9 : memref<512xi32, #tpu.memory_space<vmem>>) target_semaphore(%run_scoped3A : memref<!tpu.dma_semaphore, #tpu.memory_space<semaphore_mem>>)
      %dma_wait3A = arith.constant 0 : i32
      %dma_wait3A_63 = tpu.memref_slice %arg4[%mul3A_25, %dma_wait3A] : memref<640x512xi32, #tpu.memory_space<hbm>> -> memref<1x512xi32, #tpu.memory_space<hbm>>
      %dma_wait3A_64 = tpu.memref_squeeze %dma_wait3A_63 : memref<1x512xi32, #tpu.memory_space<hbm>> -> memref<512xi32, #tpu.memory_space<hbm>>
      %dma_wait3A_65 = arith.constant 0 : i32
      %dma_wait3A_66 = tpu.memref_slice %arg4[%mul3A_25, %dma_wait3A_65] : memref<640x512xi32, #tpu.memory_space<hbm>> -> memref<1x512xi32, #tpu.memory_space<hbm>>
      %dma_wait3A_67 = tpu.memref_squeeze %dma_wait3A_66 : memref<1x512xi32, #tpu.memory_space<hbm>> -> memref<512xi32, #tpu.memory_space<hbm>>
      tpu.wait_dma2 semaphore(%run_scoped3A : memref<!tpu.dma_semaphore, #tpu.memory_space<semaphore_mem>>) src(%dma_wait3A_67 : memref<512xi32, #tpu.memory_space<hbm>>) dst(%arg9 : memref<512xi32, #tpu.memory_space<vmem>>)
      tpu.yield
    }) : () -> ()
    %add3A_26 = arith.constant 1 : i32
    %add3A_27 = arith.addi %mul3A_25, %add3A_26 : i32
    %dma_start3A = arith.constant 0 : i32
    %dma_start3A_28 = tpu.memref_slice %arg3[%add3A_27, %dma_start3A] : memref<640x512xi32, #tpu.memory_space<hbm>> -> memref<1x512xi32, #tpu.memory_space<hbm>>
    %dma_start3A_29 = tpu.memref_squeeze %dma_start3A_28 : memref<1x512xi32, #tpu.memory_space<hbm>> -> memref<512xi32, #tpu.memory_space<hbm>>
    %dma_start3A_30 = arith.constant 0 : i32
    %dma_start3A_31 = tpu.memref_slice %arg3[%add3A_27, %dma_start3A_30] : memref<640x512xi32, #tpu.memory_space<hbm>> -> memref<1x512xi32, #tpu.memory_space<hbm>>
    %dma_start3A_32 = tpu.memref_squeeze %dma_start3A_31 : memref<1x512xi32, #tpu.memory_space<hbm>> -> memref<512xi32, #tpu.memory_space<hbm>>
    tpu.enqueue_dma source(%dma_start3A_32 : memref<512xi32, #tpu.memory_space<hbm>>) target(%arg8 : memref<512xi32, #tpu.memory_space<vmem>>) target_semaphore(%arg18 : memref<!tpu.dma_semaphore, #tpu.memory_space<semaphore_mem>>)
    %add3A_33 = arith.constant 1 : i32
    %add3A_34 = arith.addi %mul3A_25, %add3A_33 : i32
    %dma_start3A_35 = arith.constant 0 : i32
    %dma_start3A_36 = tpu.memref_slice %arg4[%add3A_34, %dma_start3A_35] : memref<640x512xi32, #tpu.memory_space<hbm>> -> memref<1x512xi32, #tpu.memory_space<hbm>>
    %dma_start3A_37 = tpu.memref_squeeze %dma_start3A_36 : memref<1x512xi32, #tpu.memory_space<hbm>> -> memref<512xi32, #tpu.memory_space<hbm>>
    %dma_start3A_38 = arith.constant 0 : i32
    %dma_start3A_39 = tpu.memref_slice %arg4[%add3A_34, %dma_start3A_38] : memref<640x512xi32, #tpu.memory_space<hbm>> -> memref<1x512xi32, #tpu.memory_space<hbm>>
    %dma_start3A_40 = tpu.memref_squeeze %dma_start3A_39 : memref<1x512xi32, #tpu.memory_space<hbm>> -> memref<512xi32, #tpu.memory_space<hbm>>
    tpu.enqueue_dma source(%dma_start3A_40 : memref<512xi32, #tpu.memory_space<hbm>>) target(%arg10 : memref<512xi32, #tpu.memory_space<vmem>>) target_semaphore(%arg18 : memref<!tpu.dma_semaphore, #tpu.memory_space<semaphore_mem>>)
    %dma_start3A_41 = arith.constant 0 : i32
    %dma_start3A_42 = arith.constant 0 : i32
    %dma_start3A_43 = tpu.memref_slice %arg2[%arg0, %dma_start3A_41, %dma_start3A_42] : memref<2x10240x64xf32, #tpu.memory_space<hbm>> -> memref<1x10240x64xf32, #tpu.memory_space<hbm>>
    %dma_start3A_44 = tpu.memref_squeeze %dma_start3A_43 : memref<1x10240x64xf32, #tpu.memory_space<hbm>> -> memref<10240x64xf32, #tpu.memory_space<hbm>>
    %dma_start3A_45 = arith.constant 0 : i32
    %dma_start3A_46 = arith.constant 0 : i32
    %dma_start3A_47 = tpu.memref_slice %dma_start3A_44[%dma_start3A_45, %dma_start3A_46] : memref<10240x64xf32, #tpu.memory_space<hbm>> -> memref<10240x64xf32, #tpu.memory_space<hbm>>
    tpu.enqueue_indirect_dma source(%dma_start3A_47 : memref<10240x64xf32, #tpu.memory_space<hbm>>) target(%arg11 : memref<512x64xf32, #tpu.memory_space<vmem>>) offsets(%arg7 : memref<512xi32, #tpu.memory_space<vmem>>) semaphore(%arg15 : memref<!tpu.dma_semaphore, #tpu.memory_space<semaphore_mem>>)
    %scan3A_48 = arith.constant 0 : i32
    %scan3A_49 = arith.constant 0 : i32
    %scan3A_50 = arith.constant 20 : i32
    %scan3A_51 = arith.addi %scan3A_49, %scan3A_50 : i32
    %scan3A_52 = arith.constant 1 : i32
    scf.for %scan3A_57 = %scan3A_49 to %scan3A_51 step %scan3A_52  : i32 {
      %mul3A_58 = arith.constant 2 : i32
      %mul3A_59 = arith.muli %mul3A_58, %scan3A_57 : i32
      %add3A_60 = arith.constant 0 : i32
      %add3A_61 = arith.addi %mul3A_59, %add3A_60 : i32
      %dma_wait3A = arith.constant 0 : i32
      %dma_wait3A_62 = arith.constant 0 : i32
      %dma_wait3A_63 = tpu.memref_slice %arg2[%arg0, %dma_wait3A, %dma_wait3A_62] : memref<2x10240x64xf32, #tpu.memory_space<hbm>> -> memref<1x10240x64xf32, #tpu.memory_space<hbm>>
      %dma_wait3A_64 = tpu.memref_squeeze %dma_wait3A_63 : memref<1x10240x64xf32, #tpu.memory_space<hbm>> -> memref<10240x64xf32, #tpu.memory_space<hbm>>
      %dma_wait3A_65 = arith.constant 0 : i32
      %dma_wait3A_66 = arith.constant 0 : i32
      %dma_wait3A_67 = tpu.memref_slice %dma_wait3A_64[%dma_wait3A_65, %dma_wait3A_66] : memref<10240x64xf32, #tpu.memory_space<hbm>> -> memref<10240x64xf32, #tpu.memory_space<hbm>>
      tpu.wait_indirect_dma semaphore(%arg15 : memref<!tpu.dma_semaphore, #tpu.memory_space<semaphore_mem>>) src(%dma_wait3A_67 : memref<10240x64xf32, #tpu.memory_space<hbm>>) dst(%arg11 : memref<512x64xf32, #tpu.memory_space<vmem>>)
      %dma_start3A_68 = arith.constant 0 : i32
      %dma_start3A_69 = arith.constant 0 : i32
      %dma_start3A_70 = tpu.memref_slice %arg14[%dma_start3A_68, %dma_start3A_69] : memref<10240x64xf32, #tpu.memory_space<vmem_shared>> -> memref<10240x64xf32, #tpu.memory_space<vmem_shared>>
      tpu.enqueue_indirect_dma source(%arg11 : memref<512x64xf32, #tpu.memory_space<vmem>>) target(%dma_start3A_70 : memref<10240x64xf32, #tpu.memory_space<vmem_shared>>) offsets(%arg9 : memref<512xi32, #tpu.memory_space<vmem>>) semaphore(%arg19 : memref<!tpu.dma_semaphore, #tpu.memory_space<semaphore_mem>>) {add = true}
      %add3A_71 = arith.constant 1 : i32
      %add3A_72 = arith.addi %add3A_61, %add3A_71 : i32
      %lt3A = arith.constant 40 : i32
      %lt3A_73 = arith.cmpi slt, %add3A_72, %lt3A : i32
      %convert_element_type3A_74 = arith.extui %lt3A_73 : i1 to i32
      %cond3A_75 = arith.constant 0 : i32
      %cond3A_76 = arith.cmpi ne, %convert_element_type3A_74, %cond3A_75 : i32
      scf.if %cond3A_76 {
        %add3A_128 = arith.addi %mul3A_25, %add3A_72 : i32
        %dma_wait3A_129 = arith.constant 0 : i32
        %dma_wait3A_130 = tpu.memref_slice %arg3[%add3A_128, %dma_wait3A_129] : memref<640x512xi32, #tpu.memory_space<hbm>> -> memref<1x512xi32, #tpu.memory_space<hbm>>
        %dma_wait3A_131 = tpu.memref_squeeze %dma_wait3A_130 : memref<1x512xi32, #tpu.memory_space<hbm>> -> memref<512xi32, #tpu.memory_space<hbm>>
        %dma_wait3A_132 = arith.constant 0 : i32
        %dma_wait3A_133 = tpu.memref_slice %arg3[%add3A_128, %dma_wait3A_132] : memref<640x512xi32, #tpu.memory_space<hbm>> -> memref<1x512xi32, #tpu.memory_space<hbm>>
        %dma_wait3A_134 = tpu.memref_squeeze %dma_wait3A_133 : memref<1x512xi32, #tpu.memory_space<hbm>> -> memref<512xi32, #tpu.memory_space<hbm>>
        tpu.wait_dma2 semaphore(%arg18 : memref<!tpu.dma_semaphore, #tpu.memory_space<semaphore_mem>>) src(%dma_wait3A_134 : memref<512xi32, #tpu.memory_space<hbm>>) dst(%arg8 : memref<512xi32, #tpu.memory_space<vmem>>)
        %add3A_135 = arith.addi %mul3A_25, %add3A_72 : i32
        %dma_wait3A_136 = arith.constant 0 : i32
        %dma_wait3A_137 = tpu.memref_slice %arg4[%add3A_135, %dma_wait3A_136] : memref<640x512xi32, #tpu.memory_space<hbm>> -> memref<1x512xi32, #tpu.memory_space<hbm>>
        %dma_wait3A_138 = tpu.memref_squeeze %dma_wait3A_137 : memref<1x512xi32, #tpu.memory_space<hbm>> -> memref<512xi32, #tpu.memory_space<hbm>>
        %dma_wait3A_139 = arith.constant 0 : i32
        %dma_wait3A_140 = tpu.memref_slice %arg4[%add3A_135, %dma_wait3A_139] : memref<640x512xi32, #tpu.memory_space<hbm>> -> memref<1x512xi32, #tpu.memory_space<hbm>>
        %dma_wait3A_141 = tpu.memref_squeeze %dma_wait3A_140 : memref<1x512xi32, #tpu.memory_space<hbm>> -> memref<512xi32, #tpu.memory_space<hbm>>
        tpu.wait_dma2 semaphore(%arg18 : memref<!tpu.dma_semaphore, #tpu.memory_space<semaphore_mem>>) src(%dma_wait3A_141 : memref<512xi32, #tpu.memory_space<hbm>>) dst(%arg10 : memref<512xi32, #tpu.memory_space<vmem>>)
        %dma_start3A_142 = arith.constant 0 : i32
        %dma_start3A_143 = arith.constant 0 : i32
        %dma_start3A_144 = tpu.memref_slice %arg2[%arg0, %dma_start3A_142, %dma_start3A_143] : memref<2x10240x64xf32, #tpu.memory_space<hbm>> -> memref<1x10240x64xf32, #tpu.memory_space<hbm>>
        %dma_start3A_145 = tpu.memref_squeeze %dma_start3A_144 : memref<1x10240x64xf32, #tpu.memory_space<hbm>> -> memref<10240x64xf32, #tpu.memory_space<hbm>>
        %dma_start3A_146 = arith.constant 0 : i32
        %dma_start3A_147 = arith.constant 0 : i32
        %dma_start3A_148 = tpu.memref_slice %dma_start3A_145[%dma_start3A_146, %dma_start3A_147] : memref<10240x64xf32, #tpu.memory_space<hbm>> -> memref<10240x64xf32, #tpu.memory_space<hbm>>
        tpu.enqueue_indirect_dma source(%dma_start3A_148 : memref<10240x64xf32, #tpu.memory_space<hbm>>) target(%arg12 : memref<512x64xf32, #tpu.memory_space<vmem>>) offsets(%arg8 : memref<512xi32, #tpu.memory_space<vmem>>) semaphore(%arg16 : memref<!tpu.dma_semaphore, #tpu.memory_space<semaphore_mem>>)
      } else {
      }
      %eq3A_77 = arith.constant 0 : i32
      %eq3A_78 = arith.cmpi eq, %arg0, %eq3A_77 : i32
      %convert_element_type3A_79 = arith.extui %eq3A_78 : i1 to i32
      %cond3A_80 = arith.constant 0 : i32
      %cond3A_81 = arith.cmpi ne, %convert_element_type3A_79, %cond3A_80 : i32
      scf.if %cond3A_81 {
        %get3A = arith.constant 0 : index
        %get3A_128 = tpu.vector_load %arg9[%get3A] {strides = array<i32>} : memref<512xi32, #tpu.memory_space<vmem>>, vector<16xi32>,
        tpu.vector_store_idx %arg13[%get3A_128], %broadcast_in_dim3A_23 {add = true} : memref<10240xf32, #tpu.memory_space<vmem>>[vector<16xi32>], vector<16xf32>,
        %get3A_129 = arith.constant 16 : index
        %get3A_130 = tpu.vector_load %arg9[%get3A_129] {strides = array<i32>} : memref<512xi32, #tpu.memory_space<vmem>>, vector<16xi32>,
        tpu.vector_store_idx %arg13[%get3A_130], %broadcast_in_dim3A_23 {add = true} : memref<10240xf32, #tpu.memory_space<vmem>>[vector<16xi32>], vector<16xf32>,
        %get3A_131 = arith.constant 32 : index
        %get3A_132 = tpu.vector_load %arg9[%get3A_131] {strides = array<i32>} : memref<512xi32, #tpu.memory_space<vmem>>, vector<16xi32>,
        tpu.vector_store_idx %arg13[%get3A_132], %broadcast_in_dim3A_23 {add = true} : memref<10240xf32, #tpu.memory_space<vmem>>[vector<16xi32>], vector<16xf32>,
        %get3A_133 = arith.constant 48 : index
        %get3A_134 = tpu.vector_load %arg9[%get3A_133] {strides = array<i32>} : memref<512xi32, #tpu.memory_space<vmem>>, vector<16xi32>,
        tpu.vector_store_idx %arg13[%get3A_134], %broadcast_in_dim3A_23 {add = true} : memref<10240xf32, #tpu.memory_space<vmem>>[vector<16xi32>], vector<16xf32>,
        %get3A_135 = arith.constant 64 : index
        %get3A_136 = tpu.vector_load %arg9[%get3A_135] {strides = array<i32>} : memref<512xi32, #tpu.memory_space<vmem>>, vector<16xi32>,
        tpu.vector_store_idx %arg13[%get3A_136], %broadcast_in_dim3A_23 {add = true} : memref<10240xf32, #tpu.memory_space<vmem>>[vector<16xi32>], vector<16xf32>,
        %get3A_137 = arith.constant 80 : index
        %get3A_138 = tpu.vector_load %arg9[%get3A_137] {strides = array<i32>} : memref<512xi32, #tpu.memory_space<vmem>>, vector<16xi32>,
        tpu.vector_store_idx %arg13[%get3A_138], %broadcast_in_dim3A_23 {add = true} : memref<10240xf32, #tpu.memory_space<vmem>>[vector<16xi32>], vector<16xf32>,
        %get3A_139 = arith.constant 96 : index
        %get3A_140 = tpu.vector_load %arg9[%get3A_139] {strides = array<i32>} : memref<512xi32, #tpu.memory_space<vmem>>, vector<16xi32>,
        tpu.vector_store_idx %arg13[%get3A_140], %broadcast_in_dim3A_23 {add = true} : memref<10240xf32, #tpu.memory_space<vmem>>[vector<16xi32>], vector<16xf32>,
        %get3A_141 = arith.constant 112 : index
        %get3A_142 = tpu.vector_load %arg9[%get3A_141] {strides = array<i32>} : memref<512xi32, #tpu.memory_space<vmem>>, vector<16xi32>,
        tpu.vector_store_idx %arg13[%get3A_142], %broadcast_in_dim3A_23 {add = true} : memref<10240xf32, #tpu.memory_space<vmem>>[vector<16xi32>], vector<16xf32>,
        %get3A_143 = arith.constant 128 : index
        %get3A_144 = tpu.vector_load %arg9[%get3A_143] {strides = array<i32>} : memref<512xi32, #tpu.memory_space<vmem>>, vector<16xi32>,
        tpu.vector_store_idx %arg13[%get3A_144], %broadcast_in_dim3A_23 {add = true} : memref<10240xf32, #tpu.memory_space<vmem>>[vector<16xi32>], vector<16xf32>,
        %get3A_145 = arith.constant 144 : index
        %get3A_146 = tpu.vector_load %arg9[%get3A_145] {strides = array<i32>} : memref<512xi32, #tpu.memory_space<vmem>>, vector<16xi32>,
        tpu.vector_store_idx %arg13[%get3A_146], %broadcast_in_dim3A_23 {add = true} : memref<10240xf32, #tpu.memory_space<vmem>>[vector<16xi32>], vector<16xf32>,
        %get3A_147 = arith.constant 160 : index
        %get3A_148 = tpu.vector_load %arg9[%get3A_147] {strides = array<i32>} : memref<512xi32, #tpu.memory_space<vmem>>, vector<16xi32>,
        tpu.vector_store_idx %arg13[%get3A_148], %broadcast_in_dim3A_23 {add = true} : memref<10240xf32, #tpu.memory_space<vmem>>[vector<16xi32>], vector<16xf32>,
        %get3A_149 = arith.constant 176 : index
        %get3A_150 = tpu.vector_load %arg9[%get3A_149] {strides = array<i32>} : memref<512xi32, #tpu.memory_space<vmem>>, vector<16xi32>,
        tpu.vector_store_idx %arg13[%get3A_150], %broadcast_in_dim3A_23 {add = true} : memref<10240xf32, #tpu.memory_space<vmem>>[vector<16xi32>], vector<16xf32>,
        %get3A_151 = arith.constant 192 : index
        %get3A_152 = tpu.vector_load %arg9[%get3A_151] {strides = array<i32>} : memref<512xi32, #tpu.memory_space<vmem>>, vector<16xi32>,
        tpu.vector_store_idx %arg13[%get3A_152], %broadcast_in_dim3A_23 {add = true} : memref<10240xf32, #tpu.memory_space<vmem>>[vector<16xi32>], vector<16xf32>,
        %get3A_153 = arith.constant 208 : index
        %get3A_154 = tpu.vector_load %arg9[%get3A_153] {strides = array<i32>} : memref<512xi32, #tpu.memory_space<vmem>>, vector<16xi32>,
        tpu.vector_store_idx %arg13[%get3A_154], %broadcast_in_dim3A_23 {add = true} : memref<10240xf32, #tpu.memory_space<vmem>>[vector<16xi32>], vector<16xf32>,
        %get3A_155 = arith.constant 224 : index
        %get3A_156 = tpu.vector_load %arg9[%get3A_155] {strides = array<i32>} : memref<512xi32, #tpu.memory_space<vmem>>, vector<16xi32>,
        tpu.vector_store_idx %arg13[%get3A_156], %broadcast_in_dim3A_23 {add = true} : memref<10240xf32, #tpu.memory_space<vmem>>[vector<16xi32>], vector<16xf32>,
        %get3A_157 = arith.constant 240 : index
        %get3A_158 = tpu.vector_load %arg9[%get3A_157] {strides = array<i32>} : memref<512xi32, #tpu.memory_space<vmem>>, vector<16xi32>,
        tpu.vector_store_idx %arg13[%get3A_158], %broadcast_in_dim3A_23 {add = true} : memref<10240xf32, #tpu.memory_space<vmem>>[vector<16xi32>], vector<16xf32>,
        %get3A_159 = arith.constant 256 : index
        %get3A_160 = tpu.vector_load %arg9[%get3A_159] {strides = array<i32>} : memref<512xi32, #tpu.memory_space<vmem>>, vector<16xi32>,
        tpu.vector_store_idx %arg13[%get3A_160], %broadcast_in_dim3A_23 {add = true} : memref<10240xf32, #tpu.memory_space<vmem>>[vector<16xi32>], vector<16xf32>,
        %get3A_161 = arith.constant 272 : index
        %get3A_162 = tpu.vector_load %arg9[%get3A_161] {strides = array<i32>} : memref<512xi32, #tpu.memory_space<vmem>>, vector<16xi32>,
        tpu.vector_store_idx %arg13[%get3A_162], %broadcast_in_dim3A_23 {add = true} : memref<10240xf32, #tpu.memory_space<vmem>>[vector<16xi32>], vector<16xf32>,
        %get3A_163 = arith.constant 288 : index
        %get3A_164 = tpu.vector_load %arg9[%get3A_163] {strides = array<i32>} : memref<512xi32, #tpu.memory_space<vmem>>, vector<16xi32>,
        tpu.vector_store_idx %arg13[%get3A_164], %broadcast_in_dim3A_23 {add = true} : memref<10240xf32, #tpu.memory_space<vmem>>[vector<16xi32>], vector<16xf32>,
        %get3A_165 = arith.constant 304 : index
        %get3A_166 = tpu.vector_load %arg9[%get3A_165] {strides = array<i32>} : memref<512xi32, #tpu.memory_space<vmem>>, vector<16xi32>,
        tpu.vector_store_idx %arg13[%get3A_166], %broadcast_in_dim3A_23 {add = true} : memref<10240xf32, #tpu.memory_space<vmem>>[vector<16xi32>], vector<16xf32>,
        %get3A_167 = arith.constant 320 : index
        %get3A_168 = tpu.vector_load %arg9[%get3A_167] {strides = array<i32>} : memref<512xi32, #tpu.memory_space<vmem>>, vector<16xi32>,
        tpu.vector_store_idx %arg13[%get3A_168], %broadcast_in_dim3A_23 {add = true} : memref<10240xf32, #tpu.memory_space<vmem>>[vector<16xi32>], vector<16xf32>,
        %get3A_169 = arith.constant 336 : index
        %get3A_170 = tpu.vector_load %arg9[%get3A_169] {strides = array<i32>} : memref<512xi32, #tpu.memory_space<vmem>>, vector<16xi32>,
        tpu.vector_store_idx %arg13[%get3A_170], %broadcast_in_dim3A_23 {add = true} : memref<10240xf32, #tpu.memory_space<vmem>>[vector<16xi32>], vector<16xf32>,
        %get3A_171 = arith.constant 352 : index
        %get3A_172 = tpu.vector_load %arg9[%get3A_171] {strides = array<i32>} : memref<512xi32, #tpu.memory_space<vmem>>, vector<16xi32>,
        tpu.vector_store_idx %arg13[%get3A_172], %broadcast_in_dim3A_23 {add = true} : memref<10240xf32, #tpu.memory_space<vmem>>[vector<16xi32>], vector<16xf32>,
        %get3A_173 = arith.constant 368 : index
        %get3A_174 = tpu.vector_load %arg9[%get3A_173] {strides = array<i32>} : memref<512xi32, #tpu.memory_space<vmem>>, vector<16xi32>,
        tpu.vector_store_idx %arg13[%get3A_174], %broadcast_in_dim3A_23 {add = true} : memref<10240xf32, #tpu.memory_space<vmem>>[vector<16xi32>], vector<16xf32>,
        %get3A_175 = arith.constant 384 : index
        %get3A_176 = tpu.vector_load %arg9[%get3A_175] {strides = array<i32>} : memref<512xi32, #tpu.memory_space<vmem>>, vector<16xi32>,
        tpu.vector_store_idx %arg13[%get3A_176], %broadcast_in_dim3A_23 {add = true} : memref<10240xf32, #tpu.memory_space<vmem>>[vector<16xi32>], vector<16xf32>,
        %get3A_177 = arith.constant 400 : index
        %get3A_178 = tpu.vector_load %arg9[%get3A_177] {strides = array<i32>} : memref<512xi32, #tpu.memory_space<vmem>>, vector<16xi32>,
        tpu.vector_store_idx %arg13[%get3A_178], %broadcast_in_dim3A_23 {add = true} : memref<10240xf32, #tpu.memory_space<vmem>>[vector<16xi32>], vector<16xf32>,
        %get3A_179 = arith.constant 416 : index
        %get3A_180 = tpu.vector_load %arg9[%get3A_179] {strides = array<i32>} : memref<512xi32, #tpu.memory_space<vmem>>, vector<16xi32>,
        tpu.vector_store_idx %arg13[%get3A_180], %broadcast_in_dim3A_23 {add = true} : memref<10240xf32, #tpu.memory_space<vmem>>[vector<16xi32>], vector<16xf32>,
        %get3A_181 = arith.constant 432 : index
        %get3A_182 = tpu.vector_load %arg9[%get3A_181] {strides = array<i32>} : memref<512xi32, #tpu.memory_space<vmem>>, vector<16xi32>,
        tpu.vector_store_idx %arg13[%get3A_182], %broadcast_in_dim3A_23 {add = true} : memref<10240xf32, #tpu.memory_space<vmem>>[vector<16xi32>], vector<16xf32>,
        %get3A_183 = arith.constant 448 : index
        %get3A_184 = tpu.vector_load %arg9[%get3A_183] {strides = array<i32>} : memref<512xi32, #tpu.memory_space<vmem>>, vector<16xi32>,
        tpu.vector_store_idx %arg13[%get3A_184], %broadcast_in_dim3A_23 {add = true} : memref<10240xf32, #tpu.memory_space<vmem>>[vector<16xi32>], vector<16xf32>,
        %get3A_185 = arith.constant 464 : index
        %get3A_186 = tpu.vector_load %arg9[%get3A_185] {strides = array<i32>} : memref<512xi32, #tpu.memory_space<vmem>>, vector<16xi32>,
        tpu.vector_store_idx %arg13[%get3A_186], %broadcast_in_dim3A_23 {add = true} : memref<10240xf32, #tpu.memory_space<vmem>>[vector<16xi32>], vector<16xf32>,
        %get3A_187 = arith.constant 480 : index
        %get3A_188 = tpu.vector_load %arg9[%get3A_187] {strides = array<i32>} : memref<512xi32, #tpu.memory_space<vmem>>, vector<16xi32>,
        tpu.vector_store_idx %arg13[%get3A_188], %broadcast_in_dim3A_23 {add = true} : memref<10240xf32, #tpu.memory_space<vmem>>[vector<16xi32>], vector<16xf32>,
        %get3A_189 = arith.constant 496 : index
        %get3A_190 = tpu.vector_load %arg9[%get3A_189] {strides = array<i32>} : memref<512xi32, #tpu.memory_space<vmem>>, vector<16xi32>,
        tpu.vector_store_idx %arg13[%get3A_190], %broadcast_in_dim3A_23 {add = true} : memref<10240xf32, #tpu.memory_space<vmem>>[vector<16xi32>], vector<16xf32>,
      } else {
      }
      %dma_wait3A_82 = arith.constant 0 : i32
      %dma_wait3A_83 = arith.constant 0 : i32
      %dma_wait3A_84 = tpu.memref_slice %arg14[%dma_wait3A_82, %dma_wait3A_83] : memref<10240x64xf32, #tpu.memory_space<vmem_shared>> -> memref<10240x64xf32, #tpu.memory_space<vmem_shared>>
      tpu.wait_indirect_dma semaphore(%arg19 : memref<!tpu.dma_semaphore, #tpu.memory_space<semaphore_mem>>) src(%arg11 : memref<512x64xf32, #tpu.memory_space<vmem>>) dst(%dma_wait3A_84 : memref<10240x64xf32, #tpu.memory_space<vmem_shared>>)
      %add3A_85 = arith.constant 2 : i32
      %add3A_86 = arith.addi %add3A_61, %add3A_85 : i32
      %lt3A_87 = arith.constant 40 : i32
      %lt3A_88 = arith.cmpi slt, %add3A_86, %lt3A_87 : i32
      %convert_element_type3A_89 = arith.extui %lt3A_88 : i1 to i32
      %cond3A_90 = arith.constant 0 : i32
      %cond3A_91 = arith.cmpi ne, %convert_element_type3A_89, %cond3A_90 : i32
      scf.if %cond3A_91 {
        %add3A_128 = arith.addi %mul3A_25, %add3A_61 : i32
        %add3A_129 = arith.constant 2 : i32
        %add3A_130 = arith.addi %add3A_128, %add3A_129 : i32
        %dma_start3A_131 = arith.constant 0 : i32
        %dma_start3A_132 = tpu.memref_slice %arg3[%add3A_130, %dma_start3A_131] : memref<640x512xi32, #tpu.memory_space<hbm>> -> memref<1x512xi32, #tpu.memory_space<hbm>>
        %dma_start3A_133 = tpu.memref_squeeze %dma_start3A_132 : memref<1x512xi32, #tpu.memory_space<hbm>> -> memref<512xi32, #tpu.memory_space<hbm>>
        %dma_start3A_134 = arith.constant 0 : i32
        %dma_start3A_135 = tpu.memref_slice %arg3[%add3A_130, %dma_start3A_134] : memref<640x512xi32, #tpu.memory_space<hbm>> -> memref<1x512xi32, #tpu.memory_space<hbm>>
        %dma_start3A_136 = tpu.memref_squeeze %dma_start3A_135 : memref<1x512xi32, #tpu.memory_space<hbm>> -> memref<512xi32, #tpu.memory_space<hbm>>
        tpu.enqueue_dma source(%dma_start3A_136 : memref<512xi32, #tpu.memory_space<hbm>>) target(%arg7 : memref<512xi32, #tpu.memory_space<vmem>>) target_semaphore(%arg17 : memref<!tpu.dma_semaphore, #tpu.memory_space<semaphore_mem>>)
        %add3A_137 = arith.addi %mul3A_25, %add3A_61 : i32
        %add3A_138 = arith.constant 2 : i32
        %add3A_139 = arith.addi %add3A_137, %add3A_138 : i32
        %dma_start3A_140 = arith.constant 0 : i32
        %dma_start3A_141 = tpu.memref_slice %arg4[%add3A_139, %dma_start3A_140] : memref<640x512xi32, #tpu.memory_space<hbm>> -> memref<1x512xi32, #tpu.memory_space<hbm>>
        %dma_start3A_142 = tpu.memref_squeeze %dma_start3A_141 : memref<1x512xi32, #tpu.memory_space<hbm>> -> memref<512xi32, #tpu.memory_space<hbm>>
        %dma_start3A_143 = arith.constant 0 : i32
        %dma_start3A_144 = tpu.memref_slice %arg4[%add3A_139, %dma_start3A_143] : memref<640x512xi32, #tpu.memory_space<hbm>> -> memref<1x512xi32, #tpu.memory_space<hbm>>
        %dma_start3A_145 = tpu.memref_squeeze %dma_start3A_144 : memref<1x512xi32, #tpu.memory_space<hbm>> -> memref<512xi32, #tpu.memory_space<hbm>>
        tpu.enqueue_dma source(%dma_start3A_145 : memref<512xi32, #tpu.memory_space<hbm>>) target(%arg9 : memref<512xi32, #tpu.memory_space<vmem>>) target_semaphore(%arg17 : memref<!tpu.dma_semaphore, #tpu.memory_space<semaphore_mem>>)
      } else {
      }
      %mul3A_92 = arith.constant 2 : i32
      %mul3A_93 = arith.muli %mul3A_92, %scan3A_57 : i32
      %add3A_94 = arith.constant 1 : i32
      %add3A_95 = arith.addi %mul3A_93, %add3A_94 : i32
      %dma_wait3A_96 = arith.constant 0 : i32
      %dma_wait3A_97 = arith.constant 0 : i32
      %dma_wait3A_98 = tpu.memref_slice %arg2[%arg0, %dma_wait3A_96, %dma_wait3A_97] : memref<2x10240x64xf32, #tpu.memory_space<hbm>> -> memref<1x10240x64xf32, #tpu.memory_space<hbm>>
      %dma_wait3A_99 = tpu.memref_squeeze %dma_wait3A_98 : memref<1x10240x64xf32, #tpu.memory_space<hbm>> -> memref<10240x64xf32, #tpu.memory_space<hbm>>
      %dma_wait3A_100 = arith.constant 0 : i32
      %dma_wait3A_101 = arith.constant 0 : i32
      %dma_wait3A_102 = tpu.memref_slice %dma_wait3A_99[%dma_wait3A_100, %dma_wait3A_101] : memref<10240x64xf32, #tpu.memory_space<hbm>> -> memref<10240x64xf32, #tpu.memory_space<hbm>>
      tpu.wait_indirect_dma semaphore(%arg16 : memref<!tpu.dma_semaphore, #tpu.memory_space<semaphore_mem>>) src(%dma_wait3A_102 : memref<10240x64xf32, #tpu.memory_space<hbm>>) dst(%arg12 : memref<512x64xf32, #tpu.memory_space<vmem>>)
      %dma_start3A_103 = arith.constant 0 : i32
      %dma_start3A_104 = arith.constant 0 : i32
      %dma_start3A_105 = tpu.memref_slice %arg14[%dma_start3A_103, %dma_start3A_104] : memref<10240x64xf32, #tpu.memory_space<vmem_shared>> -> memref<10240x64xf32, #tpu.memory_space<vmem_shared>>
      tpu.enqueue_indirect_dma source(%arg12 : memref<512x64xf32, #tpu.memory_space<vmem>>) target(%dma_start3A_105 : memref<10240x64xf32, #tpu.memory_space<vmem_shared>>) offsets(%arg10 : memref<512xi32, #tpu.memory_space<vmem>>) semaphore(%arg20 : memref<!tpu.dma_semaphore, #tpu.memory_space<semaphore_mem>>) {add = true}
      %add3A_106 = arith.constant 1 : i32
      %add3A_107 = arith.addi %add3A_95, %add3A_106 : i32
      %lt3A_108 = arith.constant 40 : i32
      %lt3A_109 = arith.cmpi slt, %add3A_107, %lt3A_108 : i32
      %convert_element_type3A_110 = arith.extui %lt3A_109 : i1 to i32
      %cond3A_111 = arith.constant 0 : i32
      %cond3A_112 = arith.cmpi ne, %convert_element_type3A_110, %cond3A_111 : i32
      scf.if %cond3A_112 {
        %add3A_128 = arith.addi %mul3A_25, %add3A_107 : i32
        %dma_wait3A_129 = arith.constant 0 : i32
        %dma_wait3A_130 = tpu.memref_slice %arg3[%add3A_128, %dma_wait3A_129] : memref<640x512xi32, #tpu.memory_space<hbm>> -> memref<1x512xi32, #tpu.memory_space<hbm>>
        %dma_wait3A_131 = tpu.memref_squeeze %dma_wait3A_130 : memref<1x512xi32, #tpu.memory_space<hbm>> -> memref<512xi32, #tpu.memory_space<hbm>>
        %dma_wait3A_132 = arith.constant 0 : i32
        %dma_wait3A_133 = tpu.memref_slice %arg3[%add3A_128, %dma_wait3A_132] : memref<640x512xi32, #tpu.memory_space<hbm>> -> memref<1x512xi32, #tpu.memory_space<hbm>>
        %dma_wait3A_134 = tpu.memref_squeeze %dma_wait3A_133 : memref<1x512xi32, #tpu.memory_space<hbm>> -> memref<512xi32, #tpu.memory_space<hbm>>
        tpu.wait_dma2 semaphore(%arg17 : memref<!tpu.dma_semaphore, #tpu.memory_space<semaphore_mem>>) src(%dma_wait3A_134 : memref<512xi32, #tpu.memory_space<hbm>>) dst(%arg7 : memref<512xi32, #tpu.memory_space<vmem>>)
        %add3A_135 = arith.addi %mul3A_25, %add3A_107 : i32
        %dma_wait3A_136 = arith.constant 0 : i32
        %dma_wait3A_137 = tpu.memref_slice %arg4[%add3A_135, %dma_wait3A_136] : memref<640x512xi32, #tpu.memory_space<hbm>> -> memref<1x512xi32, #tpu.memory_space<hbm>>
        %dma_wait3A_138 = tpu.memref_squeeze %dma_wait3A_137 : memref<1x512xi32, #tpu.memory_space<hbm>> -> memref<512xi32, #tpu.memory_space<hbm>>
        %dma_wait3A_139 = arith.constant 0 : i32
        %dma_wait3A_140 = tpu.memref_slice %arg4[%add3A_135, %dma_wait3A_139] : memref<640x512xi32, #tpu.memory_space<hbm>> -> memref<1x512xi32, #tpu.memory_space<hbm>>
        %dma_wait3A_141 = tpu.memref_squeeze %dma_wait3A_140 : memref<1x512xi32, #tpu.memory_space<hbm>> -> memref<512xi32, #tpu.memory_space<hbm>>
        tpu.wait_dma2 semaphore(%arg17 : memref<!tpu.dma_semaphore, #tpu.memory_space<semaphore_mem>>) src(%dma_wait3A_141 : memref<512xi32, #tpu.memory_space<hbm>>) dst(%arg9 : memref<512xi32, #tpu.memory_space<vmem>>)
        %dma_start3A_142 = arith.constant 0 : i32
        %dma_start3A_143 = arith.constant 0 : i32
        %dma_start3A_144 = tpu.memref_slice %arg2[%arg0, %dma_start3A_142, %dma_start3A_143] : memref<2x10240x64xf32, #tpu.memory_space<hbm>> -> memref<1x10240x64xf32, #tpu.memory_space<hbm>>
        %dma_start3A_145 = tpu.memref_squeeze %dma_start3A_144 : memref<1x10240x64xf32, #tpu.memory_space<hbm>> -> memref<10240x64xf32, #tpu.memory_space<hbm>>
        %dma_start3A_146 = arith.constant 0 : i32
        %dma_start3A_147 = arith.constant 0 : i32
        %dma_start3A_148 = tpu.memref_slice %dma_start3A_145[%dma_start3A_146, %dma_start3A_147] : memref<10240x64xf32, #tpu.memory_space<hbm>> -> memref<10240x64xf32, #tpu.memory_space<hbm>>
        tpu.enqueue_indirect_dma source(%dma_start3A_148 : memref<10240x64xf32, #tpu.memory_space<hbm>>) target(%arg11 : memref<512x64xf32, #tpu.memory_space<vmem>>) offsets(%arg7 : memref<512xi32, #tpu.memory_space<vmem>>) semaphore(%arg15 : memref<!tpu.dma_semaphore, #tpu.memory_space<semaphore_mem>>)
      } else {
      }
      %eq3A_113 = arith.constant 0 : i32
      %eq3A_114 = arith.cmpi eq, %arg0, %eq3A_113 : i32
      %convert_element_type3A_115 = arith.extui %eq3A_114 : i1 to i32
      %cond3A_116 = arith.constant 0 : i32
      %cond3A_117 = arith.cmpi ne, %convert_element_type3A_115, %cond3A_116 : i32
      scf.if %cond3A_117 {
        %get3A = arith.constant 0 : index
        %get3A_128 = tpu.vector_load %arg10[%get3A] {strides = array<i32>} : memref<512xi32, #tpu.memory_space<vmem>>, vector<16xi32>,
        tpu.vector_store_idx %arg13[%get3A_128], %broadcast_in_dim3A_23 {add = true} : memref<10240xf32, #tpu.memory_space<vmem>>[vector<16xi32>], vector<16xf32>,
        %get3A_129 = arith.constant 16 : index
        %get3A_130 = tpu.vector_load %arg10[%get3A_129] {strides = array<i32>} : memref<512xi32, #tpu.memory_space<vmem>>, vector<16xi32>,
        tpu.vector_store_idx %arg13[%get3A_130], %broadcast_in_dim3A_23 {add = true} : memref<10240xf32, #tpu.memory_space<vmem>>[vector<16xi32>], vector<16xf32>,
        %get3A_131 = arith.constant 32 : index
        %get3A_132 = tpu.vector_load %arg10[%get3A_131] {strides = array<i32>} : memref<512xi32, #tpu.memory_space<vmem>>, vector<16xi32>,
        tpu.vector_store_idx %arg13[%get3A_132], %broadcast_in_dim3A_23 {add = true} : memref<10240xf32, #tpu.memory_space<vmem>>[vector<16xi32>], vector<16xf32>,
        %get3A_133 = arith.constant 48 : index
        %get3A_134 = tpu.vector_load %arg10[%get3A_133] {strides = array<i32>} : memref<512xi32, #tpu.memory_space<vmem>>, vector<16xi32>,
        tpu.vector_store_idx %arg13[%get3A_134], %broadcast_in_dim3A_23 {add = true} : memref<10240xf32, #tpu.memory_space<vmem>>[vector<16xi32>], vector<16xf32>,
        %get3A_135 = arith.constant 64 : index
        %get3A_136 = tpu.vector_load %arg10[%get3A_135] {strides = array<i32>} : memref<512xi32, #tpu.memory_space<vmem>>, vector<16xi32>,
        tpu.vector_store_idx %arg13[%get3A_136], %broadcast_in_dim3A_23 {add = true} : memref<10240xf32, #tpu.memory_space<vmem>>[vector<16xi32>], vector<16xf32>,
        %get3A_137 = arith.constant 80 : index
        %get3A_138 = tpu.vector_load %arg10[%get3A_137] {strides = array<i32>} : memref<512xi32, #tpu.memory_space<vmem>>, vector<16xi32>,
        tpu.vector_store_idx %arg13[%get3A_138], %broadcast_in_dim3A_23 {add = true} : memref<10240xf32, #tpu.memory_space<vmem>>[vector<16xi32>], vector<16xf32>,
        %get3A_139 = arith.constant 96 : index
        %get3A_140 = tpu.vector_load %arg10[%get3A_139] {strides = array<i32>} : memref<512xi32, #tpu.memory_space<vmem>>, vector<16xi32>,
        tpu.vector_store_idx %arg13[%get3A_140], %broadcast_in_dim3A_23 {add = true} : memref<10240xf32, #tpu.memory_space<vmem>>[vector<16xi32>], vector<16xf32>,
        %get3A_141 = arith.constant 112 : index
        %get3A_142 = tpu.vector_load %arg10[%get3A_141] {strides = array<i32>} : memref<512xi32, #tpu.memory_space<vmem>>, vector<16xi32>,
        tpu.vector_store_idx %arg13[%get3A_142], %broadcast_in_dim3A_23 {add = true} : memref<10240xf32, #tpu.memory_space<vmem>>[vector<16xi32>], vector<16xf32>,
        %get3A_143 = arith.constant 128 : index
        %get3A_144 = tpu.vector_load %arg10[%get3A_143] {strides = array<i32>} : memref<512xi32, #tpu.memory_space<vmem>>, vector<16xi32>,
        tpu.vector_store_idx %arg13[%get3A_144], %broadcast_in_dim3A_23 {add = true} : memref<10240xf32, #tpu.memory_space<vmem>>[vector<16xi32>], vector<16xf32>,
        %get3A_145 = arith.constant 144 : index
        %get3A_146 = tpu.vector_load %arg10[%get3A_145] {strides = array<i32>} : memref<512xi32, #tpu.memory_space<vmem>>, vector<16xi32>,
        tpu.vector_store_idx %arg13[%get3A_146], %broadcast_in_dim3A_23 {add = true} : memref<10240xf32, #tpu.memory_space<vmem>>[vector<16xi32>], vector<16xf32>,
        %get3A_147 = arith.constant 160 : index
        %get3A_148 = tpu.vector_load %arg10[%get3A_147] {strides = array<i32>} : memref<512xi32, #tpu.memory_space<vmem>>, vector<16xi32>,
        tpu.vector_store_idx %arg13[%get3A_148], %broadcast_in_dim3A_23 {add = true} : memref<10240xf32, #tpu.memory_space<vmem>>[vector<16xi32>], vector<16xf32>,
        %get3A_149 = arith.constant 176 : index
        %get3A_150 = tpu.vector_load %arg10[%get3A_149] {strides = array<i32>} : memref<512xi32, #tpu.memory_space<vmem>>, vector<16xi32>,
        tpu.vector_store_idx %arg13[%get3A_150], %broadcast_in_dim3A_23 {add = true} : memref<10240xf32, #tpu.memory_space<vmem>>[vector<16xi32>], vector<16xf32>,
        %get3A_151 = arith.constant 192 : index
        %get3A_152 = tpu.vector_load %arg10[%get3A_151] {strides = array<i32>} : memref<512xi32, #tpu.memory_space<vmem>>, vector<16xi32>,
        tpu.vector_store_idx %arg13[%get3A_152], %broadcast_in_dim3A_23 {add = true} : memref<10240xf32, #tpu.memory_space<vmem>>[vector<16xi32>], vector<16xf32>,
        %get3A_153 = arith.constant 208 : index
        %get3A_154 = tpu.vector_load %arg10[%get3A_153] {strides = array<i32>} : memref<512xi32, #tpu.memory_space<vmem>>, vector<16xi32>,
        tpu.vector_store_idx %arg13[%get3A_154], %broadcast_in_dim3A_23 {add = true} : memref<10240xf32, #tpu.memory_space<vmem>>[vector<16xi32>], vector<16xf32>,
        %get3A_155 = arith.constant 224 : index
        %get3A_156 = tpu.vector_load %arg10[%get3A_155] {strides = array<i32>} : memref<512xi32, #tpu.memory_space<vmem>>, vector<16xi32>,
        tpu.vector_store_idx %arg13[%get3A_156], %broadcast_in_dim3A_23 {add = true} : memref<10240xf32, #tpu.memory_space<vmem>>[vector<16xi32>], vector<16xf32>,
        %get3A_157 = arith.constant 240 : index
        %get3A_158 = tpu.vector_load %arg10[%get3A_157] {strides = array<i32>} : memref<512xi32, #tpu.memory_space<vmem>>, vector<16xi32>,
        tpu.vector_store_idx %arg13[%get3A_158], %broadcast_in_dim3A_23 {add = true} : memref<10240xf32, #tpu.memory_space<vmem>>[vector<16xi32>], vector<16xf32>,
        %get3A_159 = arith.constant 256 : index
        %get3A_160 = tpu.vector_load %arg10[%get3A_159] {strides = array<i32>} : memref<512xi32, #tpu.memory_space<vmem>>, vector<16xi32>,
        tpu.vector_store_idx %arg13[%get3A_160], %broadcast_in_dim3A_23 {add = true} : memref<10240xf32, #tpu.memory_space<vmem>>[vector<16xi32>], vector<16xf32>,
        %get3A_161 = arith.constant 272 : index
        %get3A_162 = tpu.vector_load %arg10[%get3A_161] {strides = array<i32>} : memref<512xi32, #tpu.memory_space<vmem>>, vector<16xi32>,
        tpu.vector_store_idx %arg13[%get3A_162], %broadcast_in_dim3A_23 {add = true} : memref<10240xf32, #tpu.memory_space<vmem>>[vector<16xi32>], vector<16xf32>,
        %get3A_163 = arith.constant 288 : index
        %get3A_164 = tpu.vector_load %arg10[%get3A_163] {strides = array<i32>} : memref<512xi32, #tpu.memory_space<vmem>>, vector<16xi32>,
        tpu.vector_store_idx %arg13[%get3A_164], %broadcast_in_dim3A_23 {add = true} : memref<10240xf32, #tpu.memory_space<vmem>>[vector<16xi32>], vector<16xf32>,
        %get3A_165 = arith.constant 304 : index
        %get3A_166 = tpu.vector_load %arg10[%get3A_165] {strides = array<i32>} : memref<512xi32, #tpu.memory_space<vmem>>, vector<16xi32>,
        tpu.vector_store_idx %arg13[%get3A_166], %broadcast_in_dim3A_23 {add = true} : memref<10240xf32, #tpu.memory_space<vmem>>[vector<16xi32>], vector<16xf32>,
        %get3A_167 = arith.constant 320 : index
        %get3A_168 = tpu.vector_load %arg10[%get3A_167] {strides = array<i32>} : memref<512xi32, #tpu.memory_space<vmem>>, vector<16xi32>,
        tpu.vector_store_idx %arg13[%get3A_168], %broadcast_in_dim3A_23 {add = true} : memref<10240xf32, #tpu.memory_space<vmem>>[vector<16xi32>], vector<16xf32>,
        %get3A_169 = arith.constant 336 : index
        %get3A_170 = tpu.vector_load %arg10[%get3A_169] {strides = array<i32>} : memref<512xi32, #tpu.memory_space<vmem>>, vector<16xi32>,
        tpu.vector_store_idx %arg13[%get3A_170], %broadcast_in_dim3A_23 {add = true} : memref<10240xf32, #tpu.memory_space<vmem>>[vector<16xi32>], vector<16xf32>,
        %get3A_171 = arith.constant 352 : index
        %get3A_172 = tpu.vector_load %arg10[%get3A_171] {strides = array<i32>} : memref<512xi32, #tpu.memory_space<vmem>>, vector<16xi32>,
        tpu.vector_store_idx %arg13[%get3A_172], %broadcast_in_dim3A_23 {add = true} : memref<10240xf32, #tpu.memory_space<vmem>>[vector<16xi32>], vector<16xf32>,
        %get3A_173 = arith.constant 368 : index
        %get3A_174 = tpu.vector_load %arg10[%get3A_173] {strides = array<i32>} : memref<512xi32, #tpu.memory_space<vmem>>, vector<16xi32>,
        tpu.vector_store_idx %arg13[%get3A_174], %broadcast_in_dim3A_23 {add = true} : memref<10240xf32, #tpu.memory_space<vmem>>[vector<16xi32>], vector<16xf32>,
        %get3A_175 = arith.constant 384 : index
        %get3A_176 = tpu.vector_load %arg10[%get3A_175] {strides = array<i32>} : memref<512xi32, #tpu.memory_space<vmem>>, vector<16xi32>,
        tpu.vector_store_idx %arg13[%get3A_176], %broadcast_in_dim3A_23 {add = true} : memref<10240xf32, #tpu.memory_space<vmem>>[vector<16xi32>], vector<16xf32>,
        %get3A_177 = arith.constant 400 : index
        %get3A_178 = tpu.vector_load %arg10[%get3A_177] {strides = array<i32>} : memref<512xi32, #tpu.memory_space<vmem>>, vector<16xi32>,
        tpu.vector_store_idx %arg13[%get3A_178], %broadcast_in_dim3A_23 {add = true} : memref<10240xf32, #tpu.memory_space<vmem>>[vector<16xi32>], vector<16xf32>,
        %get3A_179 = arith.constant 416 : index
        %get3A_180 = tpu.vector_load %arg10[%get3A_179] {strides = array<i32>} : memref<512xi32, #tpu.memory_space<vmem>>, vector<16xi32>,
        tpu.vector_store_idx %arg13[%get3A_180], %broadcast_in_dim3A_23 {add = true} : memref<10240xf32, #tpu.memory_space<vmem>>[vector<16xi32>], vector<16xf32>,
        %get3A_181 = arith.constant 432 : index
        %get3A_182 = tpu.vector_load %arg10[%get3A_181] {strides = array<i32>} : memref<512xi32, #tpu.memory_space<vmem>>, vector<16xi32>,
        tpu.vector_store_idx %arg13[%get3A_182], %broadcast_in_dim3A_23 {add = true} : memref<10240xf32, #tpu.memory_space<vmem>>[vector<16xi32>], vector<16xf32>,
        %get3A_183 = arith.constant 448 : index
        %get3A_184 = tpu.vector_load %arg10[%get3A_183] {strides = array<i32>} : memref<512xi32, #tpu.memory_space<vmem>>, vector<16xi32>,
        tpu.vector_store_idx %arg13[%get3A_184], %broadcast_in_dim3A_23 {add = true} : memref<10240xf32, #tpu.memory_space<vmem>>[vector<16xi32>], vector<16xf32>,
        %get3A_185 = arith.constant 464 : index
        %get3A_186 = tpu.vector_load %arg10[%get3A_185] {strides = array<i32>} : memref<512xi32, #tpu.memory_space<vmem>>, vector<16xi32>,
        tpu.vector_store_idx %arg13[%get3A_186], %broadcast_in_dim3A_23 {add = true} : memref<10240xf32, #tpu.memory_space<vmem>>[vector<16xi32>], vector<16xf32>,
        %get3A_187 = arith.constant 480 : index
        %get3A_188 = tpu.vector_load %arg10[%get3A_187] {strides = array<i32>} : memref<512xi32, #tpu.memory_space<vmem>>, vector<16xi32>,
        tpu.vector_store_idx %arg13[%get3A_188], %broadcast_in_dim3A_23 {add = true} : memref<10240xf32, #tpu.memory_space<vmem>>[vector<16xi32>], vector<16xf32>,
        %get3A_189 = arith.constant 496 : index
        %get3A_190 = tpu.vector_load %arg10[%get3A_189] {strides = array<i32>} : memref<512xi32, #tpu.memory_space<vmem>>, vector<16xi32>,
        tpu.vector_store_idx %arg13[%get3A_190], %broadcast_in_dim3A_23 {add = true} : memref<10240xf32, #tpu.memory_space<vmem>>[vector<16xi32>], vector<16xf32>,
      } else {
      }
      %dma_wait3A_118 = arith.constant 0 : i32
      %dma_wait3A_119 = arith.constant 0 : i32
      %dma_wait3A_120 = tpu.memref_slice %arg14[%dma_wait3A_118, %dma_wait3A_119] : memref<10240x64xf32, #tpu.memory_space<vmem_shared>> -> memref<10240x64xf32, #tpu.memory_space<vmem_shared>>
      tpu.wait_indirect_dma semaphore(%arg20 : memref<!tpu.dma_semaphore, #tpu.memory_space<semaphore_mem>>) src(%arg12 : memref<512x64xf32, #tpu.memory_space<vmem>>) dst(%dma_wait3A_120 : memref<10240x64xf32, #tpu.memory_space<vmem_shared>>)
      %add3A_121 = arith.constant 2 : i32
      %add3A_122 = arith.addi %add3A_95, %add3A_121 : i32
      %lt3A_123 = arith.constant 40 : i32
      %lt3A_124 = arith.cmpi slt, %add3A_122, %lt3A_123 : i32
      %convert_element_type3A_125 = arith.extui %lt3A_124 : i1 to i32
      %cond3A_126 = arith.constant 0 : i32
      %cond3A_127 = arith.cmpi ne, %convert_element_type3A_125, %cond3A_126 : i32
      scf.if %cond3A_127 {
        %add3A_128 = arith.addi %mul3A_25, %add3A_95 : i32
        %add3A_129 = arith.constant 2 : i32
        %add3A_130 = arith.addi %add3A_128, %add3A_129 : i32
        %dma_start3A_131 = arith.constant 0 : i32
        %dma_start3A_132 = tpu.memref_slice %arg3[%add3A_130, %dma_start3A_131] : memref<640x512xi32, #tpu.memory_space<hbm>> -> memref<1x512xi32, #tpu.memory_space<hbm>>
        %dma_start3A_133 = tpu.memref_squeeze %dma_start3A_132 : memref<1x512xi32, #tpu.memory_space<hbm>> -> memref<512xi32, #tpu.memory_space<hbm>>
        %dma_start3A_134 = arith.constant 0 : i32
        %dma_start3A_135 = tpu.memref_slice %arg3[%add3A_130, %dma_start3A_134] : memref<640x512xi32, #tpu.memory_space<hbm>> -> memref<1x512xi32, #tpu.memory_space<hbm>>
        %dma_start3A_136 = tpu.memref_squeeze %dma_start3A_135 : memref<1x512xi32, #tpu.memory_space<hbm>> -> memref<512xi32, #tpu.memory_space<hbm>>
        tpu.enqueue_dma source(%dma_start3A_136 : memref<512xi32, #tpu.memory_space<hbm>>) target(%arg8 : memref<512xi32, #tpu.memory_space<vmem>>) target_semaphore(%arg18 : memref<!tpu.dma_semaphore, #tpu.memory_space<semaphore_mem>>)
        %add3A_137 = arith.addi %mul3A_25, %add3A_95 : i32
        %add3A_138 = arith.constant 2 : i32
        %add3A_139 = arith.addi %add3A_137, %add3A_138 : i32
        %dma_start3A_140 = arith.constant 0 : i32
        %dma_start3A_141 = tpu.memref_slice %arg4[%add3A_139, %dma_start3A_140] : memref<640x512xi32, #tpu.memory_space<hbm>> -> memref<1x512xi32, #tpu.memory_space<hbm>>
        %dma_start3A_142 = tpu.memref_squeeze %dma_start3A_141 : memref<1x512xi32, #tpu.memory_space<hbm>> -> memref<512xi32, #tpu.memory_space<hbm>>
        %dma_start3A_143 = arith.constant 0 : i32
        %dma_start3A_144 = tpu.memref_slice %arg4[%add3A_139, %dma_start3A_143] : memref<640x512xi32, #tpu.memory_space<hbm>> -> memref<1x512xi32, #tpu.memory_space<hbm>>
        %dma_start3A_145 = tpu.memref_squeeze %dma_start3A_144 : memref<1x512xi32, #tpu.memory_space<hbm>> -> memref<512xi32, #tpu.memory_space<hbm>>
        tpu.enqueue_dma source(%dma_start3A_145 : memref<512xi32, #tpu.memory_space<hbm>>) target(%arg10 : memref<512xi32, #tpu.memory_space<vmem>>) target_semaphore(%arg18 : memref<!tpu.dma_semaphore, #tpu.memory_space<semaphore_mem>>)
      } else {
      }
    }
    %scan3A_53 = arith.constant 20 : i32
    %eq3A = arith.constant 0 : i32
    %eq3A_54 = arith.cmpi eq, %arg0, %eq3A : i32
    %convert_element_type3A = arith.extui %eq3A_54 : i1 to i32
    %cond3A = arith.constant 0 : i32
    %cond3A_55 = arith.cmpi ne, %convert_element_type3A, %cond3A : i32
    scf.if %cond3A_55 {
      %mul3A_57 = arith.constant 10240 : i32
      %mul3A_58 = arith.muli %arg1, %mul3A_57 : i32
      "tpu.region"() ({
        %run_scoped3A = tpu.sem_alloc : memref<!tpu.dma_semaphore, #tpu.memory_space<semaphore_mem>>
        %dma_start3A_59 = tpu.memref_slice %arg6[%mul3A_58] : memref<163840xf32, #tpu.memory_space<hbm>> -> memref<10240xf32, #tpu.memory_space<hbm>>
        %dma_start3A_60 = tpu.memref_slice %arg6[%mul3A_58] : memref<163840xf32, #tpu.memory_space<hbm>> -> memref<10240xf32, #tpu.memory_space<hbm>>
        tpu.enqueue_dma source(%arg13 : memref<10240xf32, #tpu.memory_space<vmem>>) target(%dma_start3A_60 : memref<10240xf32, #tpu.memory_space<hbm>>) target_semaphore(%run_scoped3A : memref<!tpu.dma_semaphore, #tpu.memory_space<semaphore_mem>>)
        %dma_wait3A = tpu.memref_slice %arg6[%mul3A_58] : memref<163840xf32, #tpu.memory_space<hbm>> -> memref<10240xf32, #tpu.memory_space<hbm>>
        %dma_wait3A_61 = tpu.memref_slice %arg6[%mul3A_58] : memref<163840xf32, #tpu.memory_space<hbm>> -> memref<10240xf32, #tpu.memory_space<hbm>>
        tpu.wait_dma2 semaphore(%run_scoped3A : memref<!tpu.dma_semaphore, #tpu.memory_space<semaphore_mem>>) src(%arg13 : memref<10240xf32, #tpu.memory_space<vmem>>) dst(%dma_wait3A_61 : memref<10240xf32, #tpu.memory_space<hbm>>)
        tpu.yield
      }) : () -> ()
    } else {
    }
    %barrier3A_56 = arith.constant 0 : index
    tpu.barrier barrier_id(%barrier3A_56)
    "tpu.region"() ({
      %run_scoped3A = tpu.sem_alloc : memref<!tpu.dma_semaphore, #tpu.memory_space<semaphore_mem>>
      %dma_start3A_57 = arith.constant 0 : i32
      %dma_start3A_58 = arith.constant 0 : i32
      %dma_start3A_59 = tpu.memref_slice %arg5[%arg0, %dma_start3A_57, %dma_start3A_58] : memref<2x10240x64xf32, #tpu.memory_space<hbm>> -> memref<1x10240x64xf32, #tpu.memory_space<hbm>>
      %dma_start3A_60 = tpu.memref_squeeze %dma_start3A_59 : memref<1x10240x64xf32, #tpu.memory_space<hbm>> -> memref<10240x64xf32, #tpu.memory_space<hbm>>
      %dma_start3A_61 = arith.constant 0 : i32
      %dma_start3A_62 = tpu.memref_slice %dma_start3A_60[%mul3A_0, %dma_start3A_61] : memref<10240x64xf32, #tpu.memory_space<hbm>> -> memref<640x64xf32, #tpu.memory_space<hbm>>
      %dma_start3A_63 = arith.constant 0 : i32
      %dma_start3A_64 = tpu.memref_slice %arg14[%mul3A_0, %dma_start3A_63] : memref<10240x64xf32, #tpu.memory_space<vmem_shared>> -> memref<640x64xf32, #tpu.memory_space<vmem_shared>>
      tpu.enqueue_dma source(%dma_start3A_64 : memref<640x64xf32, #tpu.memory_space<vmem_shared>>) target(%dma_start3A_62 : memref<640x64xf32, #tpu.memory_space<hbm>>) target_semaphore(%run_scoped3A : memref<!tpu.dma_semaphore, #tpu.memory_space<semaphore_mem>>)
      %dma_wait3A = arith.constant 0 : i32
      %dma_wait3A_65 = arith.constant 0 : i32
      %dma_wait3A_66 = tpu.memref_slice %arg5[%arg0, %dma_wait3A, %dma_wait3A_65] : memref<2x10240x64xf32, #tpu.memory_space<hbm>> -> memref<1x10240x64xf32, #tpu.memory_space<hbm>>
      %dma_wait3A_67 = tpu.memref_squeeze %dma_wait3A_66 : memref<1x10240x64xf32, #tpu.memory_space<hbm>> -> memref<10240x64xf32, #tpu.memory_space<hbm>>
      %dma_wait3A_68 = arith.constant 0 : i32
      %dma_wait3A_69 = tpu.memref_slice %dma_wait3A_67[%mul3A_0, %dma_wait3A_68] : memref<10240x64xf32, #tpu.memory_space<hbm>> -> memref<640x64xf32, #tpu.memory_space<hbm>>
      %dma_wait3A_70 = arith.constant 0 : i32
      %dma_wait3A_71 = tpu.memref_slice %arg14[%mul3A_0, %dma_wait3A_70] : memref<10240x64xf32, #tpu.memory_space<vmem_shared>> -> memref<640x64xf32, #tpu.memory_space<vmem_shared>>
      tpu.wait_dma2 semaphore(%run_scoped3A : memref<!tpu.dma_semaphore, #tpu.memory_space<semaphore_mem>>) src(%dma_wait3A_71 : memref<640x64xf32, #tpu.memory_space<vmem_shared>>) dst(%dma_wait3A_69 : memref<640x64xf32, #tpu.memory_space<hbm>>)
      tpu.yield
    }) : () -> ()
    return
  }
}

module attributes {stable_mosaic.version = 14 : i64} {
  func.func @body(%arg0: i32, %arg1: memref<5120x128xf32, #tpu.memory_space<vmem>>, %arg2: memref<128x128xf32, #tpu.memory_space<vmem>>, %arg3: memref<5120x128xf32, #tpu.memory_space<vmem>>) attributes {dimension_semantics = [#tpu.dimension_semantics<arbitrary>], iteration_bounds = array<i64: 2>, scalar_prefetch = 0 : i64, scratch_operands = 0 : i64, tpu.core_type = #tpu.core_type<tc>, window_params = [{transform_indices = @transform_0, window_bounds = array<i64: 5120, 128>}, {pipeline_mode = #tpu.pipeline_mode<synchronous>, transform_indices = @transform_1, window_bounds = array<i64: 128, 128>}, {transform_indices = @transform_2, window_bounds = array<i64: 5120, 128>}]} {
    %get3A = arith.constant 0 : index
    %get3A_0 = arith.constant 0 : index
    %get3A_1 = vector.load %arg1[%get3A, %get3A_0] : memref<5120x128xf32, #tpu.memory_space<vmem>>, vector<5120x128xf32>
    %get3A_2 = arith.constant 0 : index
    %get3A_3 = arith.constant 0 : index
    %get3A_4 = vector.load %arg2[%get3A_2, %get3A_3] : memref<128x128xf32, #tpu.memory_space<vmem>>, vector<128x128xf32>
    %dot_general3A = arith.constant dense<0.000000e+00> : vector<5120x128xf32>
    %dot_general3A_5 = tpu.matmul %get3A_1, %get3A_4, %dot_general3A {dimension_numbers = #tpu.dot_dimension_numbers<[1], [0], [0], [1], [0, 0, 1, 1], [], []>, transpose_lhs_hint = false} : vector<5120x128xf32>, vector<128x128xf32>, vector<5120x128xf32> -> vector<5120x128xf32>
    %swap3A = arith.constant 0 : index
    %swap3A_6 = arith.constant 0 : index
    %swap3A_7 = vector.load %arg3[%swap3A, %swap3A_6] : memref<5120x128xf32, #tpu.memory_space<vmem>>, vector<5120x128xf32>
    tpu.vector_store %arg3[%swap3A, %swap3A_6], %dot_general3A_5 {strides = array<i32>} : memref<5120x128xf32, #tpu.memory_space<vmem>>, vector<5120x128xf32>,
    return
  }
  func.func @transform_0(%arg0: i32) -> (i32, i32) {
    %c0_i32 = arith.constant 0 : i32
    %c0_i32_0 = arith.constant 0 : i32
    return %arg0, %c0_i32 : i32, i32
  }
  func.func @transform_1(%arg0: i32) -> (i32, i32) {
    %c0_i32 = arith.constant 0 : i32
    %c0_i32_0 = arith.constant 0 : i32
    %c0_i32_1 = arith.constant 0 : i32
    return %c0_i32, %c0_i32_0 : i32, i32
  }
  func.func @transform_2(%arg0: i32) -> (i32, i32) {
    %c0_i32 = arith.constant 0 : i32
    %c0_i32_0 = arith.constant 0 : i32
    return %arg0, %c0_i32 : i32, i32
  }
}

module attributes {stable_mosaic.version = 14 : i64} {
  func.func @body(%arg0: i32, %arg1: memref<2x5120x64xf32, #tpu.memory_space<vmem>>, %arg2: memref<16x5120xf32, #tpu.memory_space<vmem>>, %arg3: memref<5120x128xf32, #tpu.memory_space<vmem>>, %arg4: memref<128x128xf32, #tpu.memory_space<vmem>>, %arg5: memref<128x128xf32, #tpu.memory_space<vmem>>, %arg6: memref<1x128xf32, #tpu.memory_space<vmem>>, %arg7: memref<5120x128xf32, #tpu.memory_space<vmem>>, %arg8: memref<5120x128xf32, #tpu.memory_space<vmem>>) attributes {dimension_semantics = [#tpu.dimension_semantics<arbitrary>], iteration_bounds = array<i64: 2>, scalar_prefetch = 0 : i64, scratch_operands = 0 : i64, tpu.core_type = #tpu.core_type<tc>, window_params = [{transform_indices = @transform_0, window_bounds = array<i64: 2, 5120, 64>}, {transform_indices = @transform_1, window_bounds = array<i64: 16, 5120>}, {transform_indices = @transform_2, window_bounds = array<i64: 5120, 128>}, {pipeline_mode = #tpu.pipeline_mode<synchronous>, transform_indices = @transform_3, window_bounds = array<i64: 128, 128>}, {pipeline_mode = #tpu.pipeline_mode<synchronous>, transform_indices = @transform_4, window_bounds = array<i64: 128, 128>}, {pipeline_mode = #tpu.pipeline_mode<synchronous>, transform_indices = @transform_5, window_bounds = array<i64: 1, 128>}, {transform_indices = @transform_6, window_bounds = array<i64: 5120, 128>}, {transform_indices = @transform_7, window_bounds = array<i64: 5120, 128>}]} {
    %get3A = arith.constant 0 : index
    %get3A_0 = arith.constant 0 : index
    %get3A_1 = vector.load %arg2[%get3A, %get3A_0] : memref<16x5120xf32, #tpu.memory_space<vmem>>, vector<16x5120xf32>
    %reduce_sum3A = arith.constant dense<0.000000e+00> : vector<5120xf32>
    %reduce_sum3A_2 = vector.multi_reduction <add>, %get3A_1, %reduce_sum3A [0] : vector<16x5120xf32> to vector<5120xf32>
    %max3A = arith.constant 1.000000e+00 : f32
    %max3A_3 = vector.broadcast %max3A : f32 to vector<5120xf32>
    %max3A_4 = arith.maximumf %reduce_sum3A_2, %max3A_3 : vector<5120xf32>
    %div3A = arith.constant 1.000000e+00 : f32
    %div3A_5 = vector.broadcast %div3A : f32 to vector<5120xf32>
    %div3A_6 = arith.divf %div3A_5, %max3A_4 : vector<5120xf32>
    %get3A_7 = arith.constant 0 : index
    %get3A_8 = arith.constant 0 : index
    %get3A_9 = arith.constant 0 : index
    %get3A_10 = vector.load %arg1[%get3A_7, %get3A_8, %get3A_9] : memref<2x5120x64xf32, #tpu.memory_space<vmem>>, vector<2x5120x64xf32>
    %slice3A = vector.extract_strided_slice %get3A_10 {offsets = [0, 0, 0], sizes = [1, 5120, 64], strides = [1, 1, 1]} : vector<2x5120x64xf32> to vector<1x5120x64xf32>
    %squeeze3A = vector.shape_cast %slice3A : vector<1x5120x64xf32> to vector<5120x64xf32>
    %slice3A_11 = vector.extract_strided_slice %get3A_10 {offsets = [1, 0, 0], sizes = [1, 5120, 64], strides = [1, 1, 1]} : vector<2x5120x64xf32> to vector<1x5120x64xf32>
    %squeeze3A_12 = vector.shape_cast %slice3A_11 : vector<1x5120x64xf32> to vector<5120x64xf32>
    %concatenate3A = tpu.concatenate %squeeze3A, %squeeze3A_12 in 1 : vector<5120x64xf32>, vector<5120x64xf32> -> vector<5120x128xf32>
    %broadcast_in_dim3A = vector.shape_cast %div3A_6 : vector<5120xf32> to vector<5120x1xf32>
    %mul3A = vector.broadcast %broadcast_in_dim3A : vector<5120x1xf32> to vector<5120x128xf32>
    %mul3A_13 = arith.mulf %concatenate3A, %mul3A : vector<5120x128xf32>
    %get3A_14 = arith.constant 0 : index
    %get3A_15 = arith.constant 0 : index
    %get3A_16 = vector.load %arg6[%get3A_14, %get3A_15] : memref<1x128xf32, #tpu.memory_space<vmem>>, vector<1x128xf32>
    %add3A = vector.broadcast %get3A_16 : vector<1x128xf32> to vector<5120x128xf32>
    %add3A_17 = arith.addf %mul3A_13, %add3A : vector<5120x128xf32>
    %get3A_18 = arith.constant 0 : index
    %get3A_19 = arith.constant 0 : index
    %get3A_20 = vector.load %arg3[%get3A_18, %get3A_19] : memref<5120x128xf32, #tpu.memory_space<vmem>>, vector<5120x128xf32>
    %get3A_21 = arith.constant 0 : index
    %get3A_22 = arith.constant 0 : index
    %get3A_23 = vector.load %arg4[%get3A_21, %get3A_22] : memref<128x128xf32, #tpu.memory_space<vmem>>, vector<128x128xf32>
    %dot_general3A = arith.constant dense<0.000000e+00> : vector<5120x128xf32>
    %dot_general3A_24 = tpu.matmul %get3A_20, %get3A_23, %dot_general3A {dimension_numbers = #tpu.dot_dimension_numbers<[1], [0], [0], [1], [0, 0, 1, 1], [], []>, transpose_lhs_hint = false} : vector<5120x128xf32>, vector<128x128xf32>, vector<5120x128xf32> -> vector<5120x128xf32>
    %add3A_25 = arith.addf %add3A_17, %dot_general3A_24 : vector<5120x128xf32>
    %max3A_26 = arith.constant 0.000000e+00 : f32
    %max3A_27 = vector.broadcast %max3A_26 : f32 to vector<5120x128xf32>
    %max3A_28 = arith.maximumf %add3A_25, %max3A_27 : vector<5120x128xf32>
    %swap3A = arith.constant 0 : index
    %swap3A_29 = arith.constant 0 : index
    %swap3A_30 = vector.load %arg7[%swap3A, %swap3A_29] : memref<5120x128xf32, #tpu.memory_space<vmem>>, vector<5120x128xf32>
    tpu.vector_store %arg7[%swap3A, %swap3A_29], %max3A_28 {strides = array<i32>} : memref<5120x128xf32, #tpu.memory_space<vmem>>, vector<5120x128xf32>,
    %get3A_31 = arith.constant 0 : index
    %get3A_32 = arith.constant 0 : index
    %get3A_33 = vector.load %arg5[%get3A_31, %get3A_32] : memref<128x128xf32, #tpu.memory_space<vmem>>, vector<128x128xf32>
    %dot_general3A_34 = arith.constant dense<0.000000e+00> : vector<5120x128xf32>
    %dot_general3A_35 = tpu.matmul %max3A_28, %get3A_33, %dot_general3A_34 {dimension_numbers = #tpu.dot_dimension_numbers<[1], [0], [0], [1], [0, 0, 1, 1], [], []>, transpose_lhs_hint = false} : vector<5120x128xf32>, vector<128x128xf32>, vector<5120x128xf32> -> vector<5120x128xf32>
    %swap3A_36 = arith.constant 0 : index
    %swap3A_37 = arith.constant 0 : index
    %swap3A_38 = vector.load %arg8[%swap3A_36, %swap3A_37] : memref<5120x128xf32, #tpu.memory_space<vmem>>, vector<5120x128xf32>
    tpu.vector_store %arg8[%swap3A_36, %swap3A_37], %dot_general3A_35 {strides = array<i32>} : memref<5120x128xf32, #tpu.memory_space<vmem>>, vector<5120x128xf32>,
    return
  }
  func.func @transform_0(%arg0: i32) -> (i32, i32, i32) {
    %c0_i32 = arith.constant 0 : i32
    %c0_i32_0 = arith.constant 0 : i32
    %c0_i32_1 = arith.constant 0 : i32
    return %c0_i32, %arg0, %c0_i32_0 : i32, i32, i32
  }
  func.func @transform_1(%arg0: i32) -> (i32, i32) {
    %c0_i32 = arith.constant 0 : i32
    %c0_i32_0 = arith.constant 0 : i32
    return %c0_i32, %arg0 : i32, i32
  }
  func.func @transform_2(%arg0: i32) -> (i32, i32) {
    %c0_i32 = arith.constant 0 : i32
    %c0_i32_0 = arith.constant 0 : i32
    return %arg0, %c0_i32 : i32, i32
  }
  func.func @transform_3(%arg0: i32) -> (i32, i32) {
    %c0_i32 = arith.constant 0 : i32
    %c0_i32_0 = arith.constant 0 : i32
    %c0_i32_1 = arith.constant 0 : i32
    return %c0_i32, %c0_i32_0 : i32, i32
  }
  func.func @transform_4(%arg0: i32) -> (i32, i32) {
    %c0_i32 = arith.constant 0 : i32
    %c0_i32_0 = arith.constant 0 : i32
    %c0_i32_1 = arith.constant 0 : i32
    return %c0_i32, %c0_i32_0 : i32, i32
  }
  func.func @transform_5(%arg0: i32) -> (i32, i32) {
    %c0_i32 = arith.constant 0 : i32
    %c0_i32_0 = arith.constant 0 : i32
    %c0_i32_1 = arith.constant 0 : i32
    return %c0_i32, %c0_i32_0 : i32, i32
  }
  func.func @transform_6(%arg0: i32) -> (i32, i32) {
    %c0_i32 = arith.constant 0 : i32
    %c0_i32_0 = arith.constant 0 : i32
    return %arg0, %c0_i32 : i32, i32
  }
  func.func @transform_7(%arg0: i32) -> (i32, i32) {
    %c0_i32 = arith.constant 0 : i32
    %c0_i32_0 = arith.constant 0 : i32
    return %arg0, %c0_i32 : i32, i32
  }
}

module attributes {stable_mosaic.version = 14 : i64} {
  func.func @body(%arg0: i32, %arg1: memref<2x5120x64xf32, #tpu.memory_space<vmem>>, %arg2: memref<16x5120xf32, #tpu.memory_space<vmem>>, %arg3: memref<5120x128xf32, #tpu.memory_space<vmem>>, %arg4: memref<128x128xf32, #tpu.memory_space<vmem>>, %arg5: memref<1x128xf32, #tpu.memory_space<vmem>>, %arg6: memref<5120x128xf32, #tpu.memory_space<vmem>>) attributes {dimension_semantics = [#tpu.dimension_semantics<arbitrary>], iteration_bounds = array<i64: 2>, scalar_prefetch = 0 : i64, scratch_operands = 0 : i64, tpu.core_type = #tpu.core_type<tc>, window_params = [{transform_indices = @transform_0, window_bounds = array<i64: 2, 5120, 64>}, {transform_indices = @transform_1, window_bounds = array<i64: 16, 5120>}, {transform_indices = @transform_2, window_bounds = array<i64: 5120, 128>}, {pipeline_mode = #tpu.pipeline_mode<synchronous>, transform_indices = @transform_3, window_bounds = array<i64: 128, 128>}, {pipeline_mode = #tpu.pipeline_mode<synchronous>, transform_indices = @transform_4, window_bounds = array<i64: 1, 128>}, {transform_indices = @transform_5, window_bounds = array<i64: 5120, 128>}]} {
    %get3A = arith.constant 0 : index
    %get3A_0 = arith.constant 0 : index
    %get3A_1 = vector.load %arg2[%get3A, %get3A_0] : memref<16x5120xf32, #tpu.memory_space<vmem>>, vector<16x5120xf32>
    %reduce_sum3A = arith.constant dense<0.000000e+00> : vector<5120xf32>
    %reduce_sum3A_2 = vector.multi_reduction <add>, %get3A_1, %reduce_sum3A [0] : vector<16x5120xf32> to vector<5120xf32>
    %max3A = arith.constant 1.000000e+00 : f32
    %max3A_3 = vector.broadcast %max3A : f32 to vector<5120xf32>
    %max3A_4 = arith.maximumf %reduce_sum3A_2, %max3A_3 : vector<5120xf32>
    %div3A = arith.constant 1.000000e+00 : f32
    %div3A_5 = vector.broadcast %div3A : f32 to vector<5120xf32>
    %div3A_6 = arith.divf %div3A_5, %max3A_4 : vector<5120xf32>
    %get3A_7 = arith.constant 0 : index
    %get3A_8 = arith.constant 0 : index
    %get3A_9 = arith.constant 0 : index
    %get3A_10 = vector.load %arg1[%get3A_7, %get3A_8, %get3A_9] : memref<2x5120x64xf32, #tpu.memory_space<vmem>>, vector<2x5120x64xf32>
    %slice3A = vector.extract_strided_slice %get3A_10 {offsets = [0, 0, 0], sizes = [1, 5120, 64], strides = [1, 1, 1]} : vector<2x5120x64xf32> to vector<1x5120x64xf32>
    %squeeze3A = vector.shape_cast %slice3A : vector<1x5120x64xf32> to vector<5120x64xf32>
    %slice3A_11 = vector.extract_strided_slice %get3A_10 {offsets = [1, 0, 0], sizes = [1, 5120, 64], strides = [1, 1, 1]} : vector<2x5120x64xf32> to vector<1x5120x64xf32>
    %squeeze3A_12 = vector.shape_cast %slice3A_11 : vector<1x5120x64xf32> to vector<5120x64xf32>
    %concatenate3A = tpu.concatenate %squeeze3A, %squeeze3A_12 in 1 : vector<5120x64xf32>, vector<5120x64xf32> -> vector<5120x128xf32>
    %broadcast_in_dim3A = vector.shape_cast %div3A_6 : vector<5120xf32> to vector<5120x1xf32>
    %mul3A = vector.broadcast %broadcast_in_dim3A : vector<5120x1xf32> to vector<5120x128xf32>
    %mul3A_13 = arith.mulf %concatenate3A, %mul3A : vector<5120x128xf32>
    %get3A_14 = arith.constant 0 : index
    %get3A_15 = arith.constant 0 : index
    %get3A_16 = vector.load %arg5[%get3A_14, %get3A_15] : memref<1x128xf32, #tpu.memory_space<vmem>>, vector<1x128xf32>
    %add3A = vector.broadcast %get3A_16 : vector<1x128xf32> to vector<5120x128xf32>
    %add3A_17 = arith.addf %mul3A_13, %add3A : vector<5120x128xf32>
    %get3A_18 = arith.constant 0 : index
    %get3A_19 = arith.constant 0 : index
    %get3A_20 = vector.load %arg3[%get3A_18, %get3A_19] : memref<5120x128xf32, #tpu.memory_space<vmem>>, vector<5120x128xf32>
    %get3A_21 = arith.constant 0 : index
    %get3A_22 = arith.constant 0 : index
    %get3A_23 = vector.load %arg4[%get3A_21, %get3A_22] : memref<128x128xf32, #tpu.memory_space<vmem>>, vector<128x128xf32>
    %dot_general3A = arith.constant dense<0.000000e+00> : vector<5120x128xf32>
    %dot_general3A_24 = tpu.matmul %get3A_20, %get3A_23, %dot_general3A {dimension_numbers = #tpu.dot_dimension_numbers<[1], [0], [0], [1], [0, 0, 1, 1], [], []>, transpose_lhs_hint = false} : vector<5120x128xf32>, vector<128x128xf32>, vector<5120x128xf32> -> vector<5120x128xf32>
    %add3A_25 = arith.addf %add3A_17, %dot_general3A_24 : vector<5120x128xf32>
    %swap3A = arith.constant 0 : index
    %swap3A_26 = arith.constant 0 : index
    %swap3A_27 = vector.load %arg6[%swap3A, %swap3A_26] : memref<5120x128xf32, #tpu.memory_space<vmem>>, vector<5120x128xf32>
    tpu.vector_store %arg6[%swap3A, %swap3A_26], %add3A_25 {strides = array<i32>} : memref<5120x128xf32, #tpu.memory_space<vmem>>, vector<5120x128xf32>,
    return
  }
  func.func @transform_0(%arg0: i32) -> (i32, i32, i32) {
    %c0_i32 = arith.constant 0 : i32
    %c0_i32_0 = arith.constant 0 : i32
    %c0_i32_1 = arith.constant 0 : i32
    return %c0_i32, %arg0, %c0_i32_0 : i32, i32, i32
  }
  func.func @transform_1(%arg0: i32) -> (i32, i32) {
    %c0_i32 = arith.constant 0 : i32
    %c0_i32_0 = arith.constant 0 : i32
    return %c0_i32, %arg0 : i32, i32
  }
  func.func @transform_2(%arg0: i32) -> (i32, i32) {
    %c0_i32 = arith.constant 0 : i32
    %c0_i32_0 = arith.constant 0 : i32
    return %arg0, %c0_i32 : i32, i32
  }
  func.func @transform_3(%arg0: i32) -> (i32, i32) {
    %c0_i32 = arith.constant 0 : i32
    %c0_i32_0 = arith.constant 0 : i32
    %c0_i32_1 = arith.constant 0 : i32
    return %c0_i32, %c0_i32_0 : i32, i32
  }
  func.func @transform_4(%arg0: i32) -> (i32, i32) {
    %c0_i32 = arith.constant 0 : i32
    %c0_i32_0 = arith.constant 0 : i32
    %c0_i32_1 = arith.constant 0 : i32
    return %c0_i32, %c0_i32_0 : i32, i32
  }
  func.func @transform_5(%arg0: i32) -> (i32, i32) {
    %c0_i32 = arith.constant 0 : i32
    %c0_i32_0 = arith.constant 0 : i32
    return %arg0, %c0_i32 : i32, i32
  }
}

</mosaic_0001>

<sc_bundles>
// kernel: kernel.10.cloned.1.call-start
scs
__scs_entry_jumppad:
0x0: {  	(pc) =	sbr.rel $0x88, $3  }
0x1: {  	(tag) =	ssettag $0x0;
	lr =	simm.s32 $0x1  }
0x2: {  	[smem:$0x3F99] =	sst lr;
	_ =	strace $0xD0000000  }
0x3: {  	_ = 	snop  }
0x4: {  	_ = 	snop  }
0x5: {  	_ = 	snop  }
0x6: {  	_ = 	snop  }
0x7: {  	_ = 	snop  }
__scs_overlays_trampoline_lowered:
0x8: {  	[smem:$0x3FA8] =	sst s0  }
0x9: {  	[smem:$0x3FA9] =	sst s1  }
0xa: {  	[smem:$0x3FAA] =	sst s2  }
0xb: {  	[smem:$0x3FAB] =	sst s3  }
0xc: {  	[smem:$0x3FAC] =	sst s4  }
0xd: {  	[smem:$0x3FAD] =	sst s5  }
0xe: {  	[smem:$0x3FAE] =	sst s6  }
0xf: {  	[smem:$0x3FAF] =	sst s7  }
0x10: {  	[smem:$0x3FB0] =	sst s8  }
0x11: {  	[smem:$0x3FB1] =	sst s9;
	s0 =	simm.s32 @!p0 $0x0  }
0x12: {  	s1 =	sld [smem:$0x3F97];
	s0 =	simm.s32 @p0 $0x1  }
0x13: {  	[smem:$0x3FB2] =	sst s0;
	s0 =	simm.s32 @!p1 $0x0  }
0x14: {  	s2 =	sld [smem:$0x3F96];
	s0 =	simm.s32 @p1 $0x1  }
0x15: {  	[smem:$0x3FB3] =	sst s0;
	s0 =	simm.s32 @!p2 $0x0  }
0x16: {  	s3 =	sld [smem:$0x3FDB];
	s0 =	simm.s32 @p2 $0x1  }
0x17: {  	s4 =	simm.s32 $0x1BF5;
	[smem:$0x3FB5] =	sst s0  }
0x18: {  	s0 =	sld [smem:$0x3F98];
	_ =	swait.ge [sflag:s4], $0x0  }
0x19: {  	s7 =	sld [smem:$0x3F99]  }
0x1a: {  	s8 =	sadd.s32 $0xFFFFE003, lr  }
0x1b: {  	s9 =	sadd.s32 $0xFFFFFEF7, lr;
	s5 =	simm.s32 $0xFFFFFFFF;
	p2 =	slt.u32 s8, $0xFFFFF086  }
0x1c: {  	p1 =	slt.u32 s9, $0xF7A;
	s5 =	simm.s32 @!p2 $0x0  }
0x1d: {  	s5 =	simm.s32 @p1 $0x1;
	p0 =	seq.s32 s7, s2  }
0x1e: {  	s7 =	smul.u32 @!p0 $0xF7A, s2;
	p2 =	seq.s32 @!p0 s5, $0x0  }
0x1f: {  	s9 =	smul.u32 $0xF7A, s1;
	s8 =	simm.s32 @!p0 $0x1BF5;
	p2 =	por !p2, p0  }
0x20: {  	[sflag:s8] =	ssyncset.s32 @!p0 $0xFFFFF086;
	s6 =	sadd.s32 @!p0 s3, s7;
	s7 =	simm.s32 @!p0 $0x108  }
0x21: {  	s3 =	sadd.s32 s3, s9;
	s6 =	sadd.s32 @!p0 $0x88, s6;
	s7 =	simm.s32 @p2 $0x1082  }
0x22: {  	[simem:s7], [sflag:s8] =	dma.local @!p0 [hbm:s6], $0xF7A  }
0x23: {  	s9 =	sor.u32 $0xD0000000, s2;
	s6 =	simm.s32 $0x108;
	_ =	swait.ge @!p0 [sflag:s8], $0x0  }
0x24: {  	s3 =	sadd.s32 $0x88, s3;
	s6 =	simm.s32 @!p1 $0x1082;
	[sflag:s4] =	ssyncset.s32 $0xFFFFF086  }
0x25: {  	[simem:s6], [sflag:s4] =	dma.local [hbm:s3], $0xF7A  }
0x26: {  	[smem:$0x3F99] =	sst s1;
	(tag) =	ssettag s2;
	_ =	strace s9  }
0x27: {  	s1 =	sld [smem:$0x3FA9]  }
0x28: {  	s2 =	sld [smem:$0x3FAA]  }
0x29: {  	s4 =	sld [smem:$0x3FAC]  }
0x2a: {  	p0 =	seq.s32 s5, $0x0;
	s5 =	sld [smem:$0x3FAD]  }
0x2b: {  	s6 =	sld [smem:$0x3FAE]  }
0x2c: {  	s7 =	sld [smem:$0x3FAF]  }
0x2d: {  	s3 =	simm.s32 $0x108;
	s8 =	sld [smem:$0x3FB0]  }
0x2e: {  	s3 =	simm.s32 @!p0 $0x1082;
	s9 =	sld [smem:$0x3FB1]  }
0x2f: {  	lr =	sadd.s32 s0, s3;
	s0 =	sld [smem:$0x3FA8]  }
0x30: {  	s3 =	sld [smem:$0x3FAB]  }
0x31: {  	[smem:$0x3FB4] =	sst s10  }
0x32: {  	s10 =	sld [smem:$0x3FB2];
	_ =	sdelay $0x3  }
0x33: {  	p0 =	seq.s32 s10, $0x1;
	s10 =	sld [smem:$0x3FB4];
	_ =	sdelay $0x3  }
0x34: {  	[smem:$0x3FB4] =	sst s10  }
0x35: {  	s10 =	sld [smem:$0x3FB3];
	_ =	sdelay $0x3  }
0x36: {  	p1 =	seq.s32 s10, $0x1;
	s10 =	sld [smem:$0x3FB4];
	_ =	sdelay $0x3  }
0x37: {  	[smem:$0x3FB4] =	sst s10  }
0x38: {  	s10 =	sld [smem:$0x3FB5]  }
0x39: {  	_ = 	snop;
	(pc) =	sbr.ind lr, $3  }
0x3a: {  	_ = 	snop  }
0x3b: {  	_ = 	snop  }
0x3c: {  	p2 =	seq.s32 s10, $0x1;
	s10 =	sld [smem:$0x3FB4]  }
0x3d: {  	_ =	shalt  }
0x3e: {  	_ =	shalt  }
0x3f: {  	_ =	shalt  }
0x40: {  	_ =	shalt  }
0x41: {  	_ =	shalt  }
0x42: {  	_ =	shalt  }
0x43: {  	_ =	shalt  }
0x44: {  	_ =	shalt  }
0x45: {  	_ =	shalt  }
0x46: {  	_ =	shalt  }
0x47: {  	_ =	shalt  }
0x48: {  	_ =	shalt  }
0x49: {  	_ =	shalt  }
0x4a: {  	_ =	shalt  }
0x4b: {  	_ =	shalt  }
0x4c: {  	_ =	shalt  }
0x4d: {  	_ =	shalt  }
0x4e: {  	_ =	shalt  }
0x4f: {  	_ =	shalt  }
0x50: {  	_ =	shalt  }
0x51: {  	_ =	shalt  }
0x52: {  	_ =	shalt  }
0x53: {  	_ =	shalt  }
0x54: {  	_ =	shalt  }
0x55: {  	_ =	shalt  }
0x56: {  	_ =	shalt  }
0x57: {  	_ =	shalt  }
0x58: {  	_ =	shalt  }
0x59: {  	_ =	shalt  }
0x5a: {  	_ =	shalt  }
0x5b: {  	_ =	shalt  }
0x5c: {  	_ =	shalt  }
0x5d: {  	_ =	shalt  }
0x5e: {  	_ =	shalt  }
0x5f: {  	_ =	shalt  }
0x60: {  	_ =	shalt  }
0x61: {  	_ =	shalt  }
0x62: {  	_ =	shalt  }
0x63: {  	_ =	shalt  }
0x64: {  	_ =	shalt  }
0x65: {  	_ =	shalt  }
0x66: {  	_ =	shalt  }
0x67: {  	_ =	shalt  }
0x68: {  	_ =	shalt  }
0x69: {  	_ =	shalt  }
0x6a: {  	_ =	shalt  }
0x6b: {  	_ =	shalt  }
0x6c: {  	_ =	shalt  }
0x6d: {  	_ =	shalt  }
0x6e: {  	_ =	shalt  }
0x6f: {  	_ =	shalt  }
0x70: {  	_ =	shalt  }
0x71: {  	_ =	shalt  }
0x72: {  	_ =	shalt  }
0x73: {  	_ =	shalt  }
0x74: {  	_ =	shalt  }
0x75: {  	_ =	shalt  }
0x76: {  	_ =	shalt  }
0x77: {  	_ =	shalt  }
0x78: {  	_ =	shalt  }
0x79: {  	_ =	shalt  }
0x7a: {  	_ =	shalt  }
0x7b: {  	_ =	shalt  }
0x7c: {  	_ =	shalt  }
0x7d: {  	_ =	shalt  }
0x7e: {  	_ =	shalt  }
0x7f: {  	_ =	shalt  }
0x80: {  	_ =	shalt  }
0x81: {  	_ =	shalt  }
0x82: {  	_ =	shalt  }
0x83: {  	_ =	shalt  }
0x84: {  	_ =	shalt  }
0x85: {  	_ =	shalt  }
0x86: {  	_ =	shalt  }
0x87: {  	_ =	shalt  }
.Lfunc_end0:
.L_simem_size_0:
called_computation.1_lowered:
.L_overlay_start_0:
0x88: {  	s2 =	sld [smem:$0x3FD9]  }
0x89: {  	s3 =	sld [smem:$0x3FFE];
	_ =	sdelay $0x1  }
0x8a: {  	s1 =	srdreg.scid  }
0x8b: {  	s0 =	sand.u32 $0x1, s1  }
0x8c: {  	s17 =	sshll.u32 s0, $0xA;
	s2 =	sadd.s32 s3, s2  }
0x8d: {  	s2 =	sadd.s32 s2, s17  }
0x8e: {  	[smem:$0x3FC0] =	sst s2  }
0x8f: {  	_ = 	snop  }
0x90: {  	s2 =	sld [smem:$0x3FD0];
	(tm) =	ssettm $0x1  }
0x91: {  	s18 =	sld [smem:$0x3FFB];
	_ =	sdelay $0x3  }
0x92: {  	_ =	strace s18  }
0x93: {  	s3 =	sld [smem:$0x3FFC];
	_ =	sdelay $0x3  }
0x94: {  	_ =	strace s3  }
0x95: {  	s3 =	sld [smem:$0x3FFD];
	_ =	sdelay $0x3  }
0x96: {  	_ =	strace s3  }
0x97: {  	_ =	strace $0x8FFFFFFF  }
0x98: {  	s19 =	sld [smem:$0x3FDB];
	_ =	sdelay $0x1  }
0x99: {  	s4 =	simm.s32 $_scs_section_size  }
0x9a: {  	s5 =	simm.s32 $_size__tile_overlayer_lowered;
	s6 =	simm.s32 $_tile_overlayer_lowered  }
0x9b: {  	s22 =	simm.s32 $0x1BFF;
	s21 =	sshll.u32 s6, $0x1;
	s3 =	sadd.s32 s4, s19  }
0x9c: {  	s7 =	simm.s32 $0x0;
	s20 =	sshll.u32 s5, $0x1;
	s5 =	sadd.s32 s21, s3  }
0x9d: {  	[timem:s7], [sflag:s22] =	dma.local [hbm:s5], s20  }
0x9e: {  	_ =	swait.ge [sflag:s22], s20  }
0x9f: {  	s4 =	ssub.s32 $0x0, s20;
	[sflag:s22] =	ssyncset.done $0x0  }
0xa0: {  	[sflag:s22] =	ssyncadd.s32 s4;
	_ =	sdelay $0x1  }
0xa1: {  	s23 =	simm.s32 $0x1B8B  }
0xa2: {  	_ =	swait.ge [sflag:s23], $0x1  }
0xa3: {  	[sflag:s23] =	ssyncset.done $0x0  }
0xa4: {  	s25 =	simm.s32 $0x1B8E;
	s24 =	sld [smem:$0x3FFE];
	[sflag:s23] =	ssyncadd.s32 $0xFFFFFFFF  }
0xa5: {  	s26 =	simm.s32 $execute0_lowered;
	[smem:$0x3FD2] =	sst s25  }
0xa6: {  	s5 =	sshll.u32 s26, $0x1;
	_ =	strace $0x80000049;
	[dreg:$0x1] =	wrdreg $0xFFFFFFFF  }
0xa7: {  	s28 =	simm.s32 $_size_execute0_lowered;
	s3 =	sadd.s32 s3, s5;
	[dreg:$0x0] =	wrdreg $0x0  }
0xa8: {  	s5 =	sshll.u32 s28, $0x1;
	[dreg:$0x2] =	wrdreg s3  }
0xa9: {  	[dreg:$0x3] =	wrdreg s5  }
0xaa: {  	[dreg:$0x4] =	wrdreg $0xC0  }
0xab: {  	_ =	task [dreg:s7], $0x5FFFF  }
0xac: {  	[dreg:$0x1] =	wrdreg $0xFFFFFFFF  }
0xad: {  	[dreg:$0x0] =	wrdreg $0x60  }
0xae: {  	[dreg:$0x2] =	wrdreg s24  }
0xaf: {  	[dreg:$0x3] =	wrdreg s2  }
0xb0: {  	[dreg:$0x4] =	wrdreg $0x108000  }
0xb1: {  	[dreg:$0x5] =	wrdreg $0x9  }
0xb2: {  	_ =	task.clear_ibuf [dreg:s7], $0x6FFFF;
	_ =	strace $0x90000049  }
0xb3: {  	s29 =	simm.s32 $0x9;
	_ =	strace $0x8000004B  }
0xb4: {  	_ =	swait.ge [sflag:s29], $0x1  }
0xb5: {  	[sflag:s29] =	ssyncadd.s32 $0xFFFFFFFF  }
0xb6: {  	_ =	strace $0x9000004B  }
0xb7: {  	_ =	sfence  }
0xb8: {  	s30 =	sld [smem:$0x0];
	_ =	sdelay $0x2  }
0xb9: {  	s31 =	sshll.u32 s1, $0xD;
	s1 =	sshrl.u32 s1, $0x2  }
0xba: {  	s3 =	sand.u32 $0x4000, s31;
	s1 =	sadd.s32 s1, s30  }
0xbb: {  	s0 =	sor.u32 s3, s0;
	s1 =	sshll.u32 s1, $0x11  }
0xbc: {  	s0 =	sor.u32 s1, s0  }
0xbd: {  	s0 =	sadd.s32 $0x8F2B, s0  }
0xbe: {  	[sflag:s0] =	ssyncadd.remote.s32 $0x1  }
0xbf: {  	_ =	sfence.sel $0xFFFF  }
0xc0: {  	[dreg:$0x0] =	wrdreg $0xFFFFFFFF;
	(pc) =	sbr.abs _section_cstart, $3  }
0xc1: {  	[dreg:$0x1] =	wrdreg $0xFFFFFFFF  }
0xc2: {  	_ =	task.clear_ibuf [dreg:s7], $0x2FFFF;
	_ =	strace $0x9FFFFFFF  }
0xc3: {  	(tm) =	ssettm $0x7FFFFFFF  }
tec
execute0_lowered:
.L_overlay_start_1:
0x0: {  	(tag) =	ssettag $0x1  }
0x1: {  	s4 =	rddreg [dreg:$0x0]  }
0x2: {  	s11 =	rddreg [dreg:$0x1]  }
0x3: {  	s1 =	rddreg [dreg:$0x2]  }
0x4: {  	s2 =	simm.s32 $0x0;
	s3 =	srdreg.scid;
	s0 =	stileid.u32  }
0x5: {  	s17 =	simm.s32 $0x400;
	s18 =	simm.s32 $0x200;
	s19 =	simm.s32 $0x600  }
0x6: {  	s20 =	simm.s32 $0x1;
	s21 =	simm.s32 $0x4;
	s22 =	simm.s32 $0x8800  }
0x7: {  	s23 =	simm.s32 $0x5;
	s26 =	simm.s32 $0x3;
	s7 =	smul.u32 $0x28000, s0  }
0x8: {  	s28 =	simm.s32 $0x6;
	s29 =	simm.s32 $0x0;
	s14 =	smul.u32 $0xA000, s0  }
0x9: {  	[smem:$0x7FF] =	sst s2;
	s5 =	sand.u32 $0x1, s3;
	s10 =	smul.u32 $0xA00, s0  }
0xa: {  	s12 =	sadd.s32 $0x29800, s4;
	s6 =	smul.u32 $0x14000, s5;
	s5 =	ssub.s32 $0x2, s5  }
0xb: {  	_ =	strace $0x8000004A;
	s8 =	sshrl.u32 s5, $0x1;
	s30 =	sshrl.u32 s7, $0x2  }
0xc: {  	s9 =	sadd.s32 s11, s10;
	s13 =	sor.u32 $0x40, s10;
	s10 =	sadd.s32 s12, s10  }
0xd: {  	s25 =	sshrl.u32 s14, $0x3;
	s15 =	sadd.s32 s6, s4;
	s16 =	ssub.s32 s5, s8  }
0xe: {  	s4 =	sadd.s32 s14, s1;
	s31 =	sadd.s32 s30, s1;
	s11 =	sadd.s32 s11, s13  }
0xf: {  	s12 =	sadd.s32 s12, s13;
	s5 =	sadd.s32 $0x2000, s31;
	s6 =	sadd.s32 $0x4000, s31  }
0x10: {  	s7 =	sadd.s32 $0x6000, s31;
	s8 =	sadd.s32 $0x8000, s31;
	s13 =	sadd.s32 $0x1800, s15  }
0x11: {  	s24 =	sadd.s32 $0x33800, s15;
	s14 =	smax.u32 s16, $0x1;
	s15 =	simm.s32 $0x800  }
0x12: {  	v0 =	vimm.f32 $0.0e+00;
	s16 =	simm.s32 $0x7;
	s24 =	sadd.s32 s25, s24;
	s25 =	simm.s32 $0x2  }
.LBB2_1:
0x13: {  	s31 =	simm.s32 $0x100;
	s30 =	simm.s32 $0x0  }
.LBB2_2:
0x14: {  	p0 =	sne.s32 s31, $0x7F00;
	[tilespmem:s30+$0x830] =	vst v0;
	s0 =	smov.u32 s31;
	s31 =	sadd.s32 $0x100, s31  }
.Ltmp0:
0x15: {  	[tilespmem:s30+$0x820] =	vst v0;
	(pc) =	sbr.rel @p0 .LBB2_2-.Ltmp0, $3  }
0x16: {  	[tilespmem:s30+$0x800] =	vst v0  }
0x17: {  	[tilespmem:s30+$0x810] =	vst v0;
	_ =	sdelay $0x1  }
0x18: {  	s30 =	sshra.s32 s0, $0x2  }
0x19: {  	[tilespmem:s30+$0x830] =	vst v0  }
0x1a: {  	[tilespmem:s30+$0x820] =	vst v0  }
0x1b: {  	[tilespmem:s30+$0x800] =	vst v0  }
0x1c: {  	[tilespmem:s30+$0x810] =	vst v0  }
0x1d: {  	[spmem:s4] =	stream.linear.scatter [tilespmem:s15], [sflag:$0x7], $0x2000, $0x38;
	[tilespmem:$0x1A800] =	vst v63  }
0x1e: {  	_ =	swait.ge [sflag:s16], $0x2000  }
0x1f: {  	[sflag:s16] =	ssyncset.done $0x0  }
0x20: {  	[sflag:s16] =	ssyncadd.s32 $0xFFFFE000  }
0x21: {  	[spmem:s5] =	stream.linear.scatter [tilespmem:s15], [sflag:$0x7], $0x2000, $0x38;
	[tilespmem:$0x1A800] =	vst v63  }
0x22: {  	_ =	swait.ge [sflag:s16], $0x2000  }
0x23: {  	[sflag:s16] =	ssyncset.done $0x0  }
0x24: {  	[sflag:s16] =	ssyncadd.s32 $0xFFFFE000  }
0x25: {  	[spmem:s6] =	stream.linear.scatter [tilespmem:s15], [sflag:$0x7], $0x2000, $0x38;
	[tilespmem:$0x1A800] =	vst v63  }
0x26: {  	_ =	swait.ge [sflag:s16], $0x2000  }
0x27: {  	[sflag:s16] =	ssyncset.done $0x0  }
0x28: {  	[sflag:s16] =	ssyncadd.s32 $0xFFFFE000  }
0x29: {  	[spmem:s7] =	stream.linear.scatter [tilespmem:s15], [sflag:$0x7], $0x2000, $0x38;
	[tilespmem:$0x1A800] =	vst v63  }
0x2a: {  	_ =	swait.ge [sflag:s16], $0x2000  }
0x2b: {  	[sflag:s16] =	ssyncset.done $0x0  }
0x2c: {  	[sflag:s16] =	ssyncadd.s32 $0xFFFFE000  }
0x2d: {  	[spmem:s8] =	stream.linear.scatter [tilespmem:s15], [sflag:$0x7], $0x2000, $0x38;
	[tilespmem:$0x1A800] =	vst v63  }
0x2e: {  	_ =	swait.ge [sflag:s16], $0x2000  }
0x2f: {  	[sflag:s16] =	ssyncset.done $0x0  }
0x30: {  	[sflag:s16] =	ssyncadd.s32 $0xFFFFE000  }
0x31: {  	[bflag:$0x0] =	sbarrier.arrive $0xFFFF  }
0x32: {  	[tilespmem:s2], [sflag:$0x7] =	stream.linear.gather [hbm4b:s9+s2], $0x200, $0x38;
	[tilespmem:$0x1A800] =	vst v63  }
0x33: {  	_ =	swait.ge [sflag:s16], $0x200  }
0x34: {  	[sflag:s16] =	ssyncset.done $0x0  }
0x35: {  	[sflag:s16] =	ssyncadd.s32 $0xFFFFFE00  }
0x36: {  	[tilespmem:s17], [sflag:$0x7] =	stream.linear.gather [hbm4b:s10+s2], $0x200, $0x38;
	[tilespmem:$0x1A800] =	vst v63  }
0x37: {  	_ =	swait.ge [sflag:s16], $0x200  }
0x38: {  	[sflag:s16] =	ssyncset.done $0x0  }
0x39: {  	[sflag:s16] =	ssyncadd.s32 $0xFFFFFE00  }
0x3a: {  	[tilespmem:s18], [sflag:$0x4] =	stream.linear.gather [hbm4b:s11+s2], $0x200, $0x38;
	[tilespmem:$0x1A800] =	vst v63  }
0x3b: {  	_ = 	snop  }
0x3c: {  	[tilespmem:s19], [sflag:$0x4] =	stream.linear.gather [hbm4b:s12+s2], $0x200, $0x38;
	[tilespmem:$0x1A800] =	vst v63  }
0x3d: {  	_ = 	snop  }
0x3e: {  	[tilespmem:s15], [sflag:$0x1] =	stream.indirect.gather [hbm4b:s13+s18], $0x40, s2, s18, $0xb8;
	[tilespmem:$0x1A800] =	vst v63  }
0x3f: {  	_ =	swait.ge [sflag:s20], $0x8000  }
0x40: {  	[sflag:s20] =	ssyncset.done $0x0  }
0x41: {  	[sflag:s20] =	ssyncadd.s32 $0xFFFF8000  }
0x42: {  	[spmem:s1] =	stream.indirect.scatter.add.f32 [tilespmem:s15], [sflag:$0x5], $0x40, s17, s18, $0xb8;
	[tilespmem:$0x1A800] =	vst v63  }
0x43: {  	_ =	swait.ge [sflag:s21], $0x200  }
0x44: {  	[sflag:s21] =	ssyncset.done $0x0  }
0x45: {  	[sflag:s21] =	ssyncadd.s32 $0xFFFFFE00  }
0x46: {  	_ =	swait.ge [sflag:s21], $0x200  }
0x47: {  	[sflag:s21] =	ssyncset.done $0x0  }
0x48: {  	[sflag:s21] =	ssyncadd.s32 $0xFFFFFE00  }
0x49: {  	[tilespmem:s22], [sflag:$0x2] =	stream.indirect.gather [hbm4b:s13+s18], $0x40, s18, s18, $0xb8;
	[tilespmem:$0x1A800] =	vst v63  }
0x4a: {  	_ =	swait.ge [sflag:s23], $0x8000  }
0x4b: {  	s0 =	sadd.s32 $0xFFFFF680, s9;
	[sflag:s23] =	ssyncset.done $0x0  }
0x4c: {  	s31 =	sadd.s32 $0xFFFFF680, s10;
	s30 =	sadd.s32 $0xA00, s0;
	[sflag:s23] =	ssyncadd.s32 $0xFFFF8000  }
0x4d: {  	[tilespmem:s2], [sflag:$0x3] =	stream.linear.gather [hbm4b:s30+s2], $0x200, $0x38;
	[tilespmem:$0x1A800] =	vst v63  }
0x4e: {  	s30 =	sadd.s32 $0xA00, s31  }
0x4f: {  	[tilespmem:s17], [sflag:$0x3] =	stream.linear.gather [hbm4b:s30+s2], $0x200, $0x38;
	[tilespmem:$0x1A800] =	vst v63  }
0x50: {  	_ =	swait.ge [sflag:s25], $0x8000  }
0x51: {  	[sflag:s25] =	ssyncset.done $0x0  }
0x52: {  	[sflag:s25] =	ssyncadd.s32 $0xFFFF8000  }
0x53: {  	[spmem:s1] =	stream.indirect.scatter.add.f32 [tilespmem:s22], [sflag:$0x6], $0x40, s19, s18, $0xb8;
	[tilespmem:$0x1A800] =	vst v63  }
0x54: {  	_ =	swait.ge [sflag:s26], $0x200  }
0x55: {  	[sflag:s26] =	ssyncset.done $0x0  }
0x56: {  	[sflag:s26] =	ssyncadd.s32 $0xFFFFFE00  }
0x57: {  	_ =	swait.ge [sflag:s26], $0x200  }
0x58: {  	[sflag:s26] =	ssyncset.done $0x0  }
0x59: {  	[sflag:s26] =	ssyncadd.s32 $0xFFFFFE00  }
0x5a: {  	[tilespmem:s15], [sflag:$0x1] =	stream.indirect.gather [hbm4b:s13+s18], $0x40, s2, s18, $0xb8;
	[tilespmem:$0x1A800] =	vst v63  }
0x5b: {  	_ =	swait.ge [sflag:s28], $0x8000  }
0x5c: {  	s0 =	sadd.s32 $0xA40, s0;
	[sflag:s28] =	ssyncset.done $0x0  }
0x5d: {  	s31 =	sadd.s32 $0xA40, s31;
	s30 =	simm.s32 $0xFFFFF700;
	[sflag:s28] =	ssyncadd.s32 $0xFFFF8000  }
0x5e: {  	[tilespmem:s18], [sflag:$0x4] =	stream.linear.gather [hbm4b:s0+s2], $0x200, $0x38;
	[tilespmem:$0x1A800] =	vst v63  }
.LBB2_4:
0x5f: {  	[tilespmem:s19], [sflag:$0x4] =	stream.linear.gather [hbm4b:s31+s2], $0x200, $0x38;
	[tilespmem:$0x1A800] =	vst v63  }
0x60: {  	s0 =	smov.u32 s30  }
0x61: {  	p0 =	sne.s32 s30, $0xFFFFFF80;
	s30 =	sadd.s32 $0x80, s30;
	_ =	swait.ge [sflag:s20], $0x8000  }
0x62: {  	[sflag:s20] =	ssyncset.done $0x0  }
0x63: {  	[sflag:s20] =	ssyncadd.s32 $0xFFFF8000  }
0x64: {  	[spmem:s1] =	stream.indirect.scatter.add.f32 [tilespmem:s15], [sflag:$0x5], $0x40, s17, s18, $0xb8;
	[tilespmem:$0x1A800] =	vst v63  }
0x65: {  	_ =	swait.ge [sflag:s21], $0x200  }
0x66: {  	[sflag:s21] =	ssyncset.done $0x0  }
0x67: {  	[sflag:s21] =	ssyncadd.s32 $0xFFFFFE00  }
0x68: {  	_ =	swait.ge [sflag:s21], $0x200  }
0x69: {  	[sflag:s21] =	ssyncset.done $0x0  }
0x6a: {  	[sflag:s21] =	ssyncadd.s32 $0xFFFFFE00  }
0x6b: {  	[tilespmem:s22], [sflag:$0x2] =	stream.indirect.gather [hbm4b:s13+s18], $0x40, s18, s18, $0xb8;
	[tilespmem:$0x1A800] =	vst v63  }
0x6c: {  	_ =	swait.ge [sflag:s23], $0x8000  }
0x6d: {  	s31 =	sadd.s32 s0, s9;
	[sflag:s23] =	ssyncset.done $0x0  }
0x6e: {  	s0 =	sadd.s32 s0, s10;
	s3 =	sadd.s32 $0xA00, s31;
	[sflag:s23] =	ssyncadd.s32 $0xFFFF8000  }
0x6f: {  	[tilespmem:s2], [sflag:$0x3] =	stream.linear.gather [hbm4b:s3+s2], $0x200, $0x38;
	[tilespmem:$0x1A800] =	vst v63  }
0x70: {  	s3 =	sadd.s32 $0xA00, s0  }
0x71: {  	[tilespmem:s17], [sflag:$0x3] =	stream.linear.gather [hbm4b:s3+s2], $0x200, $0x38;
	[tilespmem:$0x1A800] =	vst v63  }
0x72: {  	_ =	swait.ge [sflag:s25], $0x8000  }
0x73: {  	[sflag:s25] =	ssyncset.done $0x0  }
0x74: {  	[sflag:s25] =	ssyncadd.s32 $0xFFFF8000  }
0x75: {  	[spmem:s1] =	stream.indirect.scatter.add.f32 [tilespmem:s22], [sflag:$0x6], $0x40, s19, s18, $0xb8;
	[tilespmem:$0x1A800] =	vst v63  }
0x76: {  	_ =	swait.ge [sflag:s26], $0x200  }
0x77: {  	[sflag:s26] =	ssyncset.done $0x0  }
0x78: {  	[sflag:s26] =	ssyncadd.s32 $0xFFFFFE00  }
0x79: {  	_ =	swait.ge [sflag:s26], $0x200  }
0x7a: {  	[sflag:s26] =	ssyncset.done $0x0  }
0x7b: {  	[sflag:s26] =	ssyncadd.s32 $0xFFFFFE00  }
0x7c: {  	[tilespmem:s15], [sflag:$0x1] =	stream.indirect.gather [hbm4b:s13+s18], $0x40, s2, s18, $0xb8;
	[tilespmem:$0x1A800] =	vst v63  }
.Ltmp1:
0x7d: {  	_ =	swait.ge [sflag:s28], $0x8000;
	(pc) =	sbr.rel @p0 .LBB2_4-.Ltmp1, $4  }
0x7e: {  	[sflag:s28] =	ssyncset.done $0x0  }
0x7f: {  	s3 =	sadd.s32 $0xA40, s31;
	[sflag:s28] =	ssyncadd.s32 $0xFFFF8000  }
0x80: {  	[tilespmem:s18], [sflag:$0x4] =	stream.linear.gather [hbm4b:s3+s2], $0x200, $0x38;
	[tilespmem:$0x1A800] =	vst v63  }
0x81: {  	s31 =	sadd.s32 $0xA40, s0  }
0x82: {  	[tilespmem:s19], [sflag:$0x4] =	stream.linear.gather [hbm4b:s31+s2], $0x200, $0x38;
	[tilespmem:$0x1A800] =	vst v63  }
0x83: {  	_ =	swait.ge [sflag:s20], $0x8000  }
0x84: {  	[sflag:s20] =	ssyncset.done $0x0  }
0x85: {  	[sflag:s20] =	ssyncadd.s32 $0xFFFF8000  }
0x86: {  	[spmem:s1] =	stream.indirect.scatter.add.f32 [tilespmem:s15], [sflag:$0x5], $0x40, s17, s18, $0xb8;
	[tilespmem:$0x1A800] =	vst v63  }
0x87: {  	_ =	swait.ge [sflag:s21], $0x200  }
0x88: {  	[sflag:s21] =	ssyncset.done $0x0  }
0x89: {  	[sflag:s21] =	ssyncadd.s32 $0xFFFFFE00  }
0x8a: {  	_ =	swait.ge [sflag:s21], $0x200  }
0x8b: {  	[sflag:s21] =	ssyncset.done $0x0  }
0x8c: {  	[sflag:s21] =	ssyncadd.s32 $0xFFFFFE00  }
0x8d: {  	[tilespmem:s22], [sflag:$0x2] =	stream.indirect.gather [hbm4b:s13+s18], $0x40, s18, s18, $0xb8;
	[tilespmem:$0x1A800] =	vst v63  }
0x8e: {  	_ =	swait.ge [sflag:s23], $0x8000  }
0x8f: {  	[sflag:s23] =	ssyncset.done $0x0  }
0x90: {  	[sflag:s23] =	ssyncadd.s32 $0xFFFF8000  }
0x91: {  	_ =	swait.ge [sflag:s25], $0x8000  }
0x92: {  	[sflag:s25] =	ssyncset.done $0x0  }
0x93: {  	[sflag:s25] =	ssyncadd.s32 $0xFFFF8000  }
0x94: {  	[spmem:s1] =	stream.indirect.scatter.add.f32 [tilespmem:s22], [sflag:$0x6], $0x40, s19, s18, $0xb8;
	[tilespmem:$0x1A800] =	vst v63  }
0x95: {  	s0 =	stileid.u32;
	_ =	swait.ge [sflag:s28], $0x8000  }
0x96: {  	s3 =	sshrl.u32 s4, $0x3;
	s29 =	sadd.s32 $0x1, s29;
	[sflag:s28] =	ssyncset.done $0x0  }
0x97: {  	s0 =	sshll.u32 s0, $0x6;
	p0 =	sne.s32 s29, s14;
	[sflag:s28] =	ssyncadd.s32 $0xFFFF8000  }
.Ltmp2:
0x98: {  	s0 =	sor.u32 $0x1C07, s0;
	[bflag:$0x0] =	sbarrier.arrive $0xFFFF;
	(pc) =	sbr.rel @p0 .LBB2_1-.Ltmp2, $4  }
0x99: {  	[hbm:s24], [sflag:s0] =	dma.local [spmem:s3], $0x1400  }
0x9a: {  	_ =	swait.ge [sflag:s16], $0x1400  }
0x9b: {  	[sflag:s16] =	ssyncset.done $0x0  }
0x9c: {  	[sflag:s16] =	ssyncadd.s32 $0xFFFFEC00  }
0x9d: {  	_ =	sfence.sel $0x180000  }
0x9e: {  	[bflag:$0x0] =	sbarrier.arrive $0xFFFF  }
0x9f: {  	_ =	strace $0x9000004A  }
0xa0: {  	s0 =	stileid.u32;
	[bflag:$0x2] =	sbarrier.arrive $0xFFFF  }
0xa1: {  	p0 =	sne.s32 s0, $0x0;
	s0 =	rddreg [dreg:$0x3]  }
0xa2: {  	s0 =	sadd.s32 @!p0 $0x100000, s0  }
0xa3: {  	[sflag:s0] =	ssyncadd.tile.s32 @!p0 $0x1;
	_ =	shalt  }
.Lfunc_end2:
_tile_overlayer_lowered:
.L_overlay_start_2:
0xa4: {  	(tag) =	ssettag $0x2  }
0xa5: {  	s0 =	rddreg [dreg:$0x0];
	s2 =	stileid.u32  }
0xa6: {  	s1 =	rddreg [dreg:$0x1];
	p0 =	sne.s32 s2, $0x0  }
0xa7: {  	s3 =	rddreg [dreg:$0x2];
	[bflag:$0x3] =	sbarrier.arrive $0xFFFF;
	s2 =	simm.s32 @!p0 $0x1C07  }
0xa8: {  	[timem:s3], [sflag:s2] =	dma.local @!p0 [hbm:s0], s1  }
0xa9: {  	s0 =	simm.s32 @!p0 $0x7  }
0xaa: {  	_ =	swait.ge @!p0 [sflag:s0], s1  }
0xab: {  	s1 =	ssub.s32 @!p0 $0x0, s1;
	[sflag:s0] =	ssyncset.done @!p0 $0x0  }
0xac: {  	[sflag:s0] =	ssyncadd.s32 @!p0 s1  }
0xad: {  	[bflag:$0x3] =	sbarrier.arrive $0xFFFF  }
0xae: {  	_ =	shalt  }

// kernel: kernel.7.cloned.1.call-start
scs
__scs_entry_jumppad:
0x0: {  	(pc) =	sbr.rel $0x88, $3  }
0x1: {  	(tag) =	ssettag $0x0;
	lr =	simm.s32 $0x1  }
0x2: {  	[smem:$0x3F99] =	sst lr;
	_ =	strace $0xD0000000  }
0x3: {  	_ = 	snop  }
0x4: {  	_ = 	snop  }
0x5: {  	_ = 	snop  }
0x6: {  	_ = 	snop  }
0x7: {  	_ = 	snop  }
__scs_overlays_trampoline_lowered:
0x8: {  	[smem:$0x3FA8] =	sst s0  }
0x9: {  	[smem:$0x3FA9] =	sst s1  }
0xa: {  	[smem:$0x3FAA] =	sst s2  }
0xb: {  	[smem:$0x3FAB] =	sst s3  }
0xc: {  	[smem:$0x3FAC] =	sst s4  }
0xd: {  	[smem:$0x3FAD] =	sst s5  }
0xe: {  	[smem:$0x3FAE] =	sst s6  }
0xf: {  	[smem:$0x3FAF] =	sst s7  }
0x10: {  	[smem:$0x3FB0] =	sst s8  }
0x11: {  	[smem:$0x3FB1] =	sst s9;
	s0 =	simm.s32 @!p0 $0x0  }
0x12: {  	s1 =	sld [smem:$0x3F97];
	s0 =	simm.s32 @p0 $0x1  }
0x13: {  	[smem:$0x3FB2] =	sst s0;
	s0 =	simm.s32 @!p1 $0x0  }
0x14: {  	s2 =	sld [smem:$0x3F96];
	s0 =	simm.s32 @p1 $0x1  }
0x15: {  	[smem:$0x3FB3] =	sst s0;
	s0 =	simm.s32 @!p2 $0x0  }
0x16: {  	s3 =	sld [smem:$0x3FDB];
	s0 =	simm.s32 @p2 $0x1  }
0x17: {  	s4 =	simm.s32 $0x1BF5;
	[smem:$0x3FB5] =	sst s0  }
0x18: {  	s0 =	sld [smem:$0x3F98];
	_ =	swait.ge [sflag:s4], $0x0  }
0x19: {  	s7 =	sld [smem:$0x3F99]  }
0x1a: {  	s8 =	sadd.s32 $0xFFFFE003, lr  }
0x1b: {  	s9 =	sadd.s32 $0xFFFFFEF7, lr;
	s5 =	simm.s32 $0xFFFFFFFF;
	p2 =	slt.u32 s8, $0xFFFFF086  }
0x1c: {  	p1 =	slt.u32 s9, $0xF7A;
	s5 =	simm.s32 @!p2 $0x0  }
0x1d: {  	s5 =	simm.s32 @p1 $0x1;
	p0 =	seq.s32 s7, s2  }
0x1e: {  	s7 =	smul.u32 @!p0 $0xF7A, s2;
	p2 =	seq.s32 @!p0 s5, $0x0  }
0x1f: {  	s9 =	smul.u32 $0xF7A, s1;
	s8 =	simm.s32 @!p0 $0x1BF5;
	p2 =	por !p2, p0  }
0x20: {  	[sflag:s8] =	ssyncset.s32 @!p0 $0xFFFFF086;
	s6 =	sadd.s32 @!p0 s3, s7;
	s7 =	simm.s32 @!p0 $0x108  }
0x21: {  	s3 =	sadd.s32 s3, s9;
	s6 =	sadd.s32 @!p0 $0x88, s6;
	s7 =	simm.s32 @p2 $0x1082  }
0x22: {  	[simem:s7], [sflag:s8] =	dma.local @!p0 [hbm:s6], $0xF7A  }
0x23: {  	s9 =	sor.u32 $0xD0000000, s2;
	s6 =	simm.s32 $0x108;
	_ =	swait.ge @!p0 [sflag:s8], $0x0  }
0x24: {  	s3 =	sadd.s32 $0x88, s3;
	s6 =	simm.s32 @!p1 $0x1082;
	[sflag:s4] =	ssyncset.s32 $0xFFFFF086  }
0x25: {  	[simem:s6], [sflag:s4] =	dma.local [hbm:s3], $0xF7A  }
0x26: {  	[smem:$0x3F99] =	sst s1;
	(tag) =	ssettag s2;
	_ =	strace s9  }
0x27: {  	s1 =	sld [smem:$0x3FA9]  }
0x28: {  	s2 =	sld [smem:$0x3FAA]  }
0x29: {  	s4 =	sld [smem:$0x3FAC]  }
0x2a: {  	p0 =	seq.s32 s5, $0x0;
	s5 =	sld [smem:$0x3FAD]  }
0x2b: {  	s6 =	sld [smem:$0x3FAE]  }
0x2c: {  	s7 =	sld [smem:$0x3FAF]  }
0x2d: {  	s3 =	simm.s32 $0x108;
	s8 =	sld [smem:$0x3FB0]  }
0x2e: {  	s3 =	simm.s32 @!p0 $0x1082;
	s9 =	sld [smem:$0x3FB1]  }
0x2f: {  	lr =	sadd.s32 s0, s3;
	s0 =	sld [smem:$0x3FA8]  }
0x30: {  	s3 =	sld [smem:$0x3FAB]  }
0x31: {  	[smem:$0x3FB4] =	sst s10  }
0x32: {  	s10 =	sld [smem:$0x3FB2];
	_ =	sdelay $0x3  }
0x33: {  	p0 =	seq.s32 s10, $0x1;
	s10 =	sld [smem:$0x3FB4];
	_ =	sdelay $0x3  }
0x34: {  	[smem:$0x3FB4] =	sst s10  }
0x35: {  	s10 =	sld [smem:$0x3FB3];
	_ =	sdelay $0x3  }
0x36: {  	p1 =	seq.s32 s10, $0x1;
	s10 =	sld [smem:$0x3FB4];
	_ =	sdelay $0x3  }
0x37: {  	[smem:$0x3FB4] =	sst s10  }
0x38: {  	s10 =	sld [smem:$0x3FB5]  }
0x39: {  	_ = 	snop;
	(pc) =	sbr.ind lr, $3  }
0x3a: {  	_ = 	snop  }
0x3b: {  	_ = 	snop  }
0x3c: {  	p2 =	seq.s32 s10, $0x1;
	s10 =	sld [smem:$0x3FB4]  }
0x3d: {  	_ =	shalt  }
0x3e: {  	_ =	shalt  }
0x3f: {  	_ =	shalt  }
0x40: {  	_ =	shalt  }
0x41: {  	_ =	shalt  }
0x42: {  	_ =	shalt  }
0x43: {  	_ =	shalt  }
0x44: {  	_ =	shalt  }
0x45: {  	_ =	shalt  }
0x46: {  	_ =	shalt  }
0x47: {  	_ =	shalt  }
0x48: {  	_ =	shalt  }
0x49: {  	_ =	shalt  }
0x4a: {  	_ =	shalt  }
0x4b: {  	_ =	shalt  }
0x4c: {  	_ =	shalt  }
0x4d: {  	_ =	shalt  }
0x4e: {  	_ =	shalt  }
0x4f: {  	_ =	shalt  }
0x50: {  	_ =	shalt  }
0x51: {  	_ =	shalt  }
0x52: {  	_ =	shalt  }
0x53: {  	_ =	shalt  }
0x54: {  	_ =	shalt  }
0x55: {  	_ =	shalt  }
0x56: {  	_ =	shalt  }
0x57: {  	_ =	shalt  }
0x58: {  	_ =	shalt  }
0x59: {  	_ =	shalt  }
0x5a: {  	_ =	shalt  }
0x5b: {  	_ =	shalt  }
0x5c: {  	_ =	shalt  }
0x5d: {  	_ =	shalt  }
0x5e: {  	_ =	shalt  }
0x5f: {  	_ =	shalt  }
0x60: {  	_ =	shalt  }
0x61: {  	_ =	shalt  }
0x62: {  	_ =	shalt  }
0x63: {  	_ =	shalt  }
0x64: {  	_ =	shalt  }
0x65: {  	_ =	shalt  }
0x66: {  	_ =	shalt  }
0x67: {  	_ =	shalt  }
0x68: {  	_ =	shalt  }
0x69: {  	_ =	shalt  }
0x6a: {  	_ =	shalt  }
0x6b: {  	_ =	shalt  }
0x6c: {  	_ =	shalt  }
0x6d: {  	_ =	shalt  }
0x6e: {  	_ =	shalt  }
0x6f: {  	_ =	shalt  }
0x70: {  	_ =	shalt  }
0x71: {  	_ =	shalt  }
0x72: {  	_ =	shalt  }
0x73: {  	_ =	shalt  }
0x74: {  	_ =	shalt  }
0x75: {  	_ =	shalt  }
0x76: {  	_ =	shalt  }
0x77: {  	_ =	shalt  }
0x78: {  	_ =	shalt  }
0x79: {  	_ =	shalt  }
0x7a: {  	_ =	shalt  }
0x7b: {  	_ =	shalt  }
0x7c: {  	_ =	shalt  }
0x7d: {  	_ =	shalt  }
0x7e: {  	_ =	shalt  }
0x7f: {  	_ =	shalt  }
0x80: {  	_ =	shalt  }
0x81: {  	_ =	shalt  }
0x82: {  	_ =	shalt  }
0x83: {  	_ =	shalt  }
0x84: {  	_ =	shalt  }
0x85: {  	_ =	shalt  }
0x86: {  	_ =	shalt  }
0x87: {  	_ =	shalt  }
.Lfunc_end0:
.L_simem_size_0:
called_computation_lowered:
.L_overlay_start_0:
0x88: {  	s2 =	sld [smem:$0x3FD9]  }
0x89: {  	s3 =	sld [smem:$0x3FFE];
	_ =	sdelay $0x1  }
0x8a: {  	s1 =	srdreg.scid  }
0x8b: {  	s0 =	sand.u32 $0x1, s1  }
0x8c: {  	s17 =	sshll.u32 s0, $0xA;
	s2 =	sadd.s32 s3, s2  }
0x8d: {  	s2 =	sadd.s32 s2, s17  }
0x8e: {  	[smem:$0x3FC0] =	sst s2  }
0x8f: {  	_ = 	snop  }
0x90: {  	s2 =	sld [smem:$0x3FD0];
	(tm) =	ssettm $0x1  }
0x91: {  	s18 =	sld [smem:$0x3FFB];
	_ =	sdelay $0x3  }
0x92: {  	_ =	strace s18  }
0x93: {  	s3 =	sld [smem:$0x3FFC];
	_ =	sdelay $0x3  }
0x94: {  	_ =	strace s3  }
0x95: {  	s3 =	sld [smem:$0x3FFD];
	_ =	sdelay $0x3  }
0x96: {  	_ =	strace s3  }
0x97: {  	_ =	strace $0x8FFFFFFF  }
0x98: {  	s19 =	sld [smem:$0x3FDB];
	_ =	sdelay $0x1  }
0x99: {  	s4 =	simm.s32 $_scs_section_size  }
0x9a: {  	s5 =	simm.s32 $_size__tile_overlayer_lowered;
	s6 =	simm.s32 $_tile_overlayer_lowered  }
0x9b: {  	s22 =	simm.s32 $0x1BFF;
	s21 =	sshll.u32 s6, $0x1;
	s3 =	sadd.s32 s4, s19  }
0x9c: {  	s7 =	simm.s32 $0x0;
	s20 =	sshll.u32 s5, $0x1;
	s5 =	sadd.s32 s21, s3  }
0x9d: {  	[timem:s7], [sflag:s22] =	dma.local [hbm:s5], s20  }
0x9e: {  	_ =	swait.ge [sflag:s22], s20  }
0x9f: {  	s4 =	ssub.s32 $0x0, s20;
	[sflag:s22] =	ssyncset.done $0x0  }
0xa0: {  	[sflag:s22] =	ssyncadd.s32 s4;
	_ =	sdelay $0x1  }
0xa1: {  	s23 =	simm.s32 $0x1B8B  }
0xa2: {  	_ =	swait.ge [sflag:s23], $0x1  }
0xa3: {  	[sflag:s23] =	ssyncset.done $0x0  }
0xa4: {  	s25 =	simm.s32 $0x1B8E;
	s24 =	sld [smem:$0x3FFE];
	[sflag:s23] =	ssyncadd.s32 $0xFFFFFFFF  }
0xa5: {  	s26 =	simm.s32 $execute0_lowered;
	[smem:$0x3FD2] =	sst s25  }
0xa6: {  	s5 =	sshll.u32 s26, $0x1;
	_ =	strace $0x80000046;
	[dreg:$0x1] =	wrdreg $0xFFFFFFFF  }
0xa7: {  	s28 =	simm.s32 $_size_execute0_lowered;
	s3 =	sadd.s32 s3, s5;
	[dreg:$0x0] =	wrdreg $0x0  }
0xa8: {  	s5 =	sshll.u32 s28, $0x1;
	[dreg:$0x2] =	wrdreg s3  }
0xa9: {  	[dreg:$0x3] =	wrdreg s5  }
0xaa: {  	[dreg:$0x4] =	wrdreg $0xC0  }
0xab: {  	_ =	task [dreg:s7], $0x5FFFF  }
0xac: {  	[dreg:$0x1] =	wrdreg $0xFFFFFFFF  }
0xad: {  	[dreg:$0x0] =	wrdreg $0x60  }
0xae: {  	[dreg:$0x2] =	wrdreg s24  }
0xaf: {  	[dreg:$0x3] =	wrdreg s2  }
0xb0: {  	[dreg:$0x4] =	wrdreg $0x130000  }
0xb1: {  	[dreg:$0x5] =	wrdreg $0x9  }
0xb2: {  	_ =	task.clear_ibuf [dreg:s7], $0x6FFFF;
	_ =	strace $0x90000046  }
0xb3: {  	s29 =	simm.s32 $0x9;
	_ =	strace $0x80000048  }
0xb4: {  	_ =	swait.ge [sflag:s29], $0x1  }
0xb5: {  	[sflag:s29] =	ssyncadd.s32 $0xFFFFFFFF  }
0xb6: {  	_ =	strace $0x90000048  }
0xb7: {  	_ =	sfence  }
0xb8: {  	s30 =	sld [smem:$0x0];
	_ =	sdelay $0x2  }
0xb9: {  	s31 =	sshll.u32 s1, $0xD;
	s1 =	sshrl.u32 s1, $0x2  }
0xba: {  	s3 =	sand.u32 $0x4000, s31;
	s1 =	sadd.s32 s1, s30  }
0xbb: {  	s0 =	sor.u32 s3, s0;
	s1 =	sshll.u32 s1, $0x11  }
0xbc: {  	s0 =	sor.u32 s1, s0  }
0xbd: {  	s0 =	sadd.s32 $0x8F2B, s0  }
0xbe: {  	[sflag:s0] =	ssyncadd.remote.s32 $0x1  }
0xbf: {  	_ =	sfence.sel $0xFFFF  }
0xc0: {  	[dreg:$0x0] =	wrdreg $0xFFFFFFFF;
	(pc) =	sbr.abs _section_cstart, $3  }
0xc1: {  	[dreg:$0x1] =	wrdreg $0xFFFFFFFF  }
0xc2: {  	_ =	task.clear_ibuf [dreg:s7], $0x2FFFF;
	_ =	strace $0x9FFFFFFF  }
0xc3: {  	(tm) =	ssettm $0x7FFFFFFF  }
tec
execute0_lowered:
.L_overlay_start_1:
0x0: {  	(tag) =	ssettag $0x1  }
0x1: {  	s0 =	rddreg [dreg:$0x0]  }
0x2: {  	s3 =	rddreg [dreg:$0x1]  }
0x3: {  	s1 =	rddreg [dreg:$0x2];
	s2 =	simm.s32 $0x0  }
0x4: {  	s4 =	srdreg.scid;
	s9 =	stileid.u32;
	s18 =	simm.s32 $0x800  }
0x5: {  	s19 =	simm.s32 $0x7;
	s28 =	simm.s32 $0x10800;
	s5 =	smul.u32 $0x500, s9  }
0x6: {  	s29 =	simm.s32 $0x5;
	s30 =	simm.s32 $0x2;
	s8 =	smul.u32 $0x28000, s9  }
0x7: {  	s31 =	simm.s32 $0x6;
	[smem:$0x7FF] =	sst s2;
	s16 =	smul.u32 $0xA000, s9  }
0x8: {  	s14 =	sand.u32 $0x1, s4;
	s6 =	sadd.s32 $0x29800, s0;
	s10 =	smul.u32 $0xA00, s9  }
0x9: {  	s4 =	smul.u32 $0x14000, s14;
	_ =	strace $0x80000047;
	s7 =	ssub.s32 $0x2, s14  }
0xa: {  	p0 =	sne.s32 s14, $0x0;
	p1 =	seq.s32 s14, $0x0;
	s20 =	sshrl.u32 s7, $0x1  }
0xb: {  	s22 =	sshrl.u32 s8, $0x2;
	s9 =	sadd.s32 s3, s10;
	s12 =	sor.u32 $0x40, s10  }
0xc: {  	s10 =	sadd.s32 s6, s10;
	s26 =	sshrl.u32 s16, $0x3;
	s15 =	sadd.s32 s4, s0  }
0xd: {  	s0 =	sadd.s32 s5, s0;
	s21 =	ssub.s32 s7, s20;
	s4 =	sadd.s32 s16, s1  }
0xe: {  	s8 =	sadd.s32 s22, s1;
	s11 =	sadd.s32 s3, s12;
	s12 =	sadd.s32 s6, s12  }
0xf: {  	s6 =	sadd.s32 $0xC0, s9;
	s5 =	sadd.s32 $0xC0, s10;
	s20 =	simm.s32 $0x400  }
0x10: {  	s22 =	simm.s32 $0x600;
	s3 =	simm.s32 $0x0;
	s7 =	sadd.s32 $0x2000, s8  }
0x11: {  	s23 =	sadd.s32 $0x4000, s8;
	s24 =	sadd.s32 $0x6000, s8;
	s8 =	sadd.s32 $0x8000, s8  }
.Ltmp0:
0x12: {  	s13 =	sadd.s32 $0x1800, s15;
	[dreg:$0x4] =	wrdreg s7;
	(pc) =	sbr.rel .LBB2_1-.Ltmp0, $4  }
0x13: {  	s0 =	sadd.s32 $0x33800, s0;
	s25 =	sadd.s32 $0x38800, s15;
	[dreg:$0x5] =	wrdreg s23  }
0x14: {  	s15 =	smax.u32 s21, $0x1;
	s21 =	simm.s32 $0x200;
	[dreg:$0x6] =	wrdreg s24  }
0x15: {  	[dreg:$0x7] =	wrdreg s0;
	s23 =	simm.s32 $0x1;
	s24 =	sadd.s32 s26, s25  }
0x16: {  	v0 =	vimm.f32 $0.0e+00;
	v1 =	vimm.f32 $1.000000000e+00;
	s25 =	simm.s32 $0x4;
	s26 =	simm.s32 $0x8800;
	s0 =	simm.s32 $0x3  }
.LBB2_15:
0x17: {  	_ =	swait.ge [sflag:s31], $0x8000  }
0x18: {  	[sflag:s31] =	ssyncset.done $0x0  }
0x19: {  	[sflag:s31] =	ssyncadd.s32 $0xFFFF8000  }
.LBB2_16:
0x1a: {  	s7 =	stileid.u32;
	s3 =	sadd.s32 $0x1, s3  }
0x1b: {  	[bflag:$0x0] =	sbarrier.arrive $0xFFFF;
	s7 =	sshll.u32 s7, $0x6;
	p2 =	sne.s32 s3, s15  }
.Ltmp1:
0x1c: {  	s14 =	sshrl.u32 s4, $0x3;
	s7 =	sor.u32 $0x1C07, s7;
	(pc) =	sbr.rel @!p2 .LBB2_17-.Ltmp1, $4  }
0x1d: {  	[hbm:s24], [sflag:s7] =	dma.local [spmem:s14], $0x1400  }
0x1e: {  	_ =	swait.ge [sflag:s19], $0x1400  }
0x1f: {  	[sflag:s19] =	ssyncset.done $0x0  }
0x20: {  	[sflag:s19] =	ssyncadd.s32 $0xFFFFEC00  }
.LBB2_1:
0x21: {  	s16 =	simm.s32 $0x100;
	s14 =	simm.s32 $0x0  }
.LBB2_2:
0x22: {  	p2 =	sne.s32 s16, $0x7F00;
	[tilespmem:s14+$0x830] =	vst v0;
	s17 =	smov.u32 s16;
	s16 =	sadd.s32 $0x100, s16  }
.Ltmp2:
0x23: {  	[tilespmem:s14+$0x820] =	vst v0;
	(pc) =	sbr.rel @p2 .LBB2_2-.Ltmp2, $3  }
0x24: {  	[tilespmem:s14+$0x800] =	vst v0  }
0x25: {  	[tilespmem:s14+$0x810] =	vst v0;
	_ =	sdelay $0x1  }
0x26: {  	s14 =	sshra.s32 s17, $0x2  }
0x27: {  	[tilespmem:s14+$0x830] =	vst v0  }
0x28: {  	[tilespmem:s14+$0x820] =	vst v0  }
0x29: {  	[tilespmem:s14+$0x800] =	vst v0  }
0x2a: {  	[tilespmem:s14+$0x810] =	vst v0  }
0x2b: {  	[spmem:s4] =	stream.linear.scatter [tilespmem:s18], [sflag:$0x7], $0x2000, $0x38;
	[tilespmem:$0x1D000] =	vst v63  }
0x2c: {  	_ =	swait.ge [sflag:s19], $0x2000  }
0x2d: {  	[sflag:s19] =	ssyncset.done $0x0  }
0x2e: {  	s7 =	rddreg [dreg:$0x4];
	[sflag:s19] =	ssyncadd.s32 $0xFFFFE000  }
0x2f: {  	[spmem:s7] =	stream.linear.scatter [tilespmem:s18], [sflag:$0x7], $0x2000, $0x38;
	[tilespmem:$0x1D000] =	vst v63  }
0x30: {  	_ =	swait.ge [sflag:s19], $0x2000  }
0x31: {  	[sflag:s19] =	ssyncset.done $0x0  }
0x32: {  	s16 =	rddreg [dreg:$0x5];
	[sflag:s19] =	ssyncadd.s32 $0xFFFFE000  }
0x33: {  	[spmem:s16] =	stream.linear.scatter [tilespmem:s18], [sflag:$0x7], $0x2000, $0x38;
	[tilespmem:$0x1D000] =	vst v63  }
0x34: {  	_ =	swait.ge [sflag:s19], $0x2000  }
0x35: {  	[sflag:s19] =	ssyncset.done $0x0  }
0x36: {  	s17 =	rddreg [dreg:$0x6];
	[sflag:s19] =	ssyncadd.s32 $0xFFFFE000  }
0x37: {  	[spmem:s17] =	stream.linear.scatter [tilespmem:s18], [sflag:$0x7], $0x2000, $0x38;
	[tilespmem:$0x1D000] =	vst v63  }
0x38: {  	_ =	swait.ge [sflag:s19], $0x2000  }
0x39: {  	[sflag:s19] =	ssyncset.done $0x0  }
0x3a: {  	[sflag:s19] =	ssyncadd.s32 $0xFFFFE000  }
0x3b: {  	[spmem:s8] =	stream.linear.scatter [tilespmem:s18], [sflag:$0x7], $0x2000, $0x38;
	[tilespmem:$0x1D000] =	vst v63  }
0x3c: {  	_ =	swait.ge [sflag:s19], $0x2000  }
0x3d: {  	[sflag:s19] =	ssyncset.done $0x0  }
0x3e: {  	s14 =	simm.s32 $0x40;
	s16 =	simm.s32 $0x0;
	[sflag:s19] =	ssyncadd.s32 $0xFFFFE000  }
.LBB2_4:
0x3f: {  	p2 =	sne.s32 s14, $0x9FC0;
	[tilespmem:s16+$0x10800] =	vst v0;
	s16 =	smov.u32 s14;
	s14 =	sadd.s32 $0x40, s14  }
.Ltmp3:
0x40: {  	(pc) =	sbr.rel @p2 .LBB2_4-.Ltmp3, $2  }
0x41: {  	_ =	sdelay $0x2  }
0x42: {  	s16 =	sshra.s32 s16, $0x2  }
0x43: {  	[tilespmem:s16+$0x10800] =	vst v0  }
0x44: {  	[bflag:$0x0] =	sbarrier.arrive $0xFFFF  }
0x45: {  	[tilespmem:s2], [sflag:$0x7] =	stream.linear.gather [hbm4b:s9+s2], $0x200, $0x38;
	[tilespmem:$0x1D000] =	vst v63  }
0x46: {  	_ =	swait.ge [sflag:s19], $0x200  }
0x47: {  	[sflag:s19] =	ssyncset.done $0x0  }
0x48: {  	[sflag:s19] =	ssyncadd.s32 $0xFFFFFE00  }
0x49: {  	[tilespmem:s20], [sflag:$0x7] =	stream.linear.gather [hbm4b:s10+s2], $0x200, $0x38;
	[tilespmem:$0x1D000] =	vst v63  }
0x4a: {  	_ =	swait.ge [sflag:s19], $0x200  }
0x4b: {  	[sflag:s19] =	ssyncset.done $0x0  }
0x4c: {  	[sflag:s19] =	ssyncadd.s32 $0xFFFFFE00  }
0x4d: {  	[tilespmem:s21], [sflag:$0x4] =	stream.linear.gather [hbm4b:s11+s2], $0x200, $0x38;
	[tilespmem:$0x1D000] =	vst v63  }
.Ltmp4:
0x4e: {  	_ = 	snop;
	(pc) =	sbr.rel .LBB2_6-.Ltmp4, $4  }
0x4f: {  	_ = 	snop  }
0x50: {  	[tilespmem:s22], [sflag:$0x4] =	stream.linear.gather [hbm4b:s12+s2], $0x200, $0x38;
	[tilespmem:$0x1D000] =	vst v63  }
0x51: {  	s14 =	simm.s32 $0x13;
	s17 =	smov.u32 s5;
	s16 =	smov.u32 s6  }
0x52: {  	[tilespmem:s18], [sflag:$0x1] =	stream.indirect.gather [hbm4b:s13+s21], $0x40, s2, s21, $0xb8;
	[tilespmem:$0x1D000] =	vst v63  }
.LBB2_13:
0x53: {  	_ =	swait.ge [sflag:s31], $0x8000  }
0x54: {  	[sflag:s31] =	ssyncset.done $0x0  }
0x55: {  	[sflag:s31] =	ssyncadd.s32 $0xFFFF8000  }
.LBB2_14:
0x56: {  	[tilespmem:s21], [sflag:$0x4] =	stream.linear.gather [hbm4b:s16+s2], $0x200, $0x38;
	[tilespmem:$0x1D000] =	vst v63  }
0x57: {  	_ = 	snop  }
0x58: {  	[tilespmem:s22], [sflag:$0x4] =	stream.linear.gather [hbm4b:s17+s2], $0x200, $0x38;
	[tilespmem:$0x1D000] =	vst v63  }
0x59: {  	s16 =	sadd.s32 $0x80, s16;
	s14 =	sadd.s32 $0xFFFFFFFF, s14;
	s17 =	sadd.s32 $0x80, s17  }
.LBB2_6:
0x5a: {  	_ =	swait.ge [sflag:s23], $0x8000  }
0x5b: {  	[sflag:s23] =	ssyncset.done $0x0  }
0x5c: {  	[sflag:s23] =	ssyncadd.s32 $0xFFFF8000  }
0x5d: {  	[spmem:s1] =	stream.indirect.scatter.add.f32 [tilespmem:s18], [sflag:$0x5], $0x40, s20, s21, $0xb8;
	[tilespmem:$0x1D000] =	vst v63  }
0x5e: {  	_ =	swait.ge [sflag:s25], $0x200  }
0x5f: {  	[sflag:s25] =	ssyncset.done $0x0  }
.Ltmp5:
0x60: {  	[sflag:s25] =	ssyncadd.s32 $0xFFFFFE00;
	(pc) =	sbr.rel @p0 .LBB2_8-.Ltmp5, $4  }
0x61: {  	_ =	swait.ge [sflag:s25], $0x200  }
0x62: {  	[sflag:s25] =	ssyncset.done $0x0  }
0x63: {  	[sflag:s25] =	ssyncadd.s32 $0xFFFFFE00  }
0x64: {  	[tilespmem:s26], [sflag:$0x2] =	stream.indirect.gather [hbm4b:s13+s21], $0x40, s21, s21, $0xb8;
	[tilespmem:$0x1D000] =	vst v63  }
0x65: {  	v2 =	vld [tilespmem:$0x400];
	_ =	sdelay $0x7  }
0x66: {  	[tilespmem:v2+s28+$0x0] =	vst.idx.add.f32.msk $0xffff, v1  }
0x67: {  	v2 =	vld [tilespmem:$0x410];
	_ =	sdelay $0x7  }
0x68: {  	[tilespmem:v2+s28+$0x0] =	vst.idx.add.f32.msk $0xffff, v1  }
0x69: {  	v2 =	vld [tilespmem:$0x420];
	_ =	sdelay $0x7  }
0x6a: {  	[tilespmem:v2+s28+$0x0] =	vst.idx.add.f32.msk $0xffff, v1  }
0x6b: {  	v2 =	vld [tilespmem:$0x430];
	_ =	sdelay $0x7  }
0x6c: {  	[tilespmem:v2+s28+$0x0] =	vst.idx.add.f32.msk $0xffff, v1  }
0x6d: {  	v2 =	vld [tilespmem:$0x440];
	_ =	sdelay $0x7  }
0x6e: {  	[tilespmem:v2+s28+$0x0] =	vst.idx.add.f32.msk $0xffff, v1  }
0x6f: {  	v2 =	vld [tilespmem:$0x450];
	_ =	sdelay $0x7  }
0x70: {  	[tilespmem:v2+s28+$0x0] =	vst.idx.add.f32.msk $0xffff, v1  }
0x71: {  	v2 =	vld [tilespmem:$0x460];
	_ =	sdelay $0x7  }
0x72: {  	[tilespmem:v2+s28+$0x0] =	vst.idx.add.f32.msk $0xffff, v1  }
0x73: {  	v2 =	vld [tilespmem:$0x470];
	_ =	sdelay $0x7  }
0x74: {  	[tilespmem:v2+s28+$0x0] =	vst.idx.add.f32.msk $0xffff, v1  }
0x75: {  	v2 =	vld [tilespmem:$0x480];
	_ =	sdelay $0x7  }
0x76: {  	[tilespmem:v2+s28+$0x0] =	vst.idx.add.f32.msk $0xffff, v1  }
0x77: {  	v2 =	vld [tilespmem:$0x490];
	_ =	sdelay $0x7  }
0x78: {  	[tilespmem:v2+s28+$0x0] =	vst.idx.add.f32.msk $0xffff, v1  }
0x79: {  	v2 =	vld [tilespmem:$0x4A0];
	_ =	sdelay $0x7  }
0x7a: {  	[tilespmem:v2+s28+$0x0] =	vst.idx.add.f32.msk $0xffff, v1  }
0x7b: {  	v2 =	vld [tilespmem:$0x4B0];
	_ =	sdelay $0x7  }
0x7c: {  	[tilespmem:v2+s28+$0x0] =	vst.idx.add.f32.msk $0xffff, v1  }
0x7d: {  	v2 =	vld [tilespmem:$0x4C0];
	_ =	sdelay $0x7  }
0x7e: {  	[tilespmem:v2+s28+$0x0] =	vst.idx.add.f32.msk $0xffff, v1  }
0x7f: {  	v2 =	vld [tilespmem:$0x4D0];
	_ =	sdelay $0x7  }
0x80: {  	[tilespmem:v2+s28+$0x0] =	vst.idx.add.f32.msk $0xffff, v1  }
0x81: {  	v2 =	vld [tilespmem:$0x4E0];
	_ =	sdelay $0x7  }
0x82: {  	[tilespmem:v2+s28+$0x0] =	vst.idx.add.f32.msk $0xffff, v1  }
0x83: {  	v2 =	vld [tilespmem:$0x4F0];
	_ =	sdelay $0x7  }
0x84: {  	[tilespmem:v2+s28+$0x0] =	vst.idx.add.f32.msk $0xffff, v1  }
0x85: {  	v2 =	vld [tilespmem:$0x500];
	_ =	sdelay $0x7  }
0x86: {  	[tilespmem:v2+s28+$0x0] =	vst.idx.add.f32.msk $0xffff, v1  }
0x87: {  	v2 =	vld [tilespmem:$0x510];
	_ =	sdelay $0x7  }
0x88: {  	[tilespmem:v2+s28+$0x0] =	vst.idx.add.f32.msk $0xffff, v1  }
0x89: {  	v2 =	vld [tilespmem:$0x520];
	_ =	sdelay $0x7  }
0x8a: {  	[tilespmem:v2+s28+$0x0] =	vst.idx.add.f32.msk $0xffff, v1  }
0x8b: {  	v2 =	vld [tilespmem:$0x530];
	_ =	sdelay $0x7  }
0x8c: {  	[tilespmem:v2+s28+$0x0] =	vst.idx.add.f32.msk $0xffff, v1  }
0x8d: {  	v2 =	vld [tilespmem:$0x540];
	_ =	sdelay $0x7  }
0x8e: {  	[tilespmem:v2+s28+$0x0] =	vst.idx.add.f32.msk $0xffff, v1  }
0x8f: {  	v2 =	vld [tilespmem:$0x550];
	_ =	sdelay $0x7  }
0x90: {  	[tilespmem:v2+s28+$0x0] =	vst.idx.add.f32.msk $0xffff, v1  }
0x91: {  	v2 =	vld [tilespmem:$0x560];
	_ =	sdelay $0x7  }
0x92: {  	[tilespmem:v2+s28+$0x0] =	vst.idx.add.f32.msk $0xffff, v1  }
0x93: {  	v2 =	vld [tilespmem:$0x570];
	_ =	sdelay $0x7  }
0x94: {  	[tilespmem:v2+s28+$0x0] =	vst.idx.add.f32.msk $0xffff, v1  }
0x95: {  	v2 =	vld [tilespmem:$0x580];
	_ =	sdelay $0x7  }
0x96: {  	[tilespmem:v2+s28+$0x0] =	vst.idx.add.f32.msk $0xffff, v1  }
0x97: {  	v2 =	vld [tilespmem:$0x590];
	_ =	sdelay $0x7  }
0x98: {  	[tilespmem:v2+s28+$0x0] =	vst.idx.add.f32.msk $0xffff, v1  }
0x99: {  	v2 =	vld [tilespmem:$0x5A0];
	_ =	sdelay $0x7  }
0x9a: {  	[tilespmem:v2+s28+$0x0] =	vst.idx.add.f32.msk $0xffff, v1  }
0x9b: {  	v2 =	vld [tilespmem:$0x5B0];
	_ =	sdelay $0x7  }
0x9c: {  	[tilespmem:v2+s28+$0x0] =	vst.idx.add.f32.msk $0xffff, v1  }
0x9d: {  	v2 =	vld [tilespmem:$0x5C0];
	_ =	sdelay $0x7  }
0x9e: {  	[tilespmem:v2+s28+$0x0] =	vst.idx.add.f32.msk $0xffff, v1  }
0x9f: {  	v2 =	vld [tilespmem:$0x5D0];
	_ =	sdelay $0x7  }
0xa0: {  	[tilespmem:v2+s28+$0x0] =	vst.idx.add.f32.msk $0xffff, v1  }
0xa1: {  	v2 =	vld [tilespmem:$0x5E0];
	_ =	sdelay $0x7  }
0xa2: {  	[tilespmem:v2+s28+$0x0] =	vst.idx.add.f32.msk $0xffff, v1  }
0xa3: {  	v2 =	vld [tilespmem:$0x5F0];
	_ =	sdelay $0x7  }
0xa4: {  	[tilespmem:v2+s28+$0x0] =	vst.idx.add.f32.msk $0xffff, v1  }
.LBB2_8:
0xa5: {  	p2 =	sne.s32 s14, $0x0  }
.Ltmp6:
0xa6: {  	_ = 	snop;
	(pc) =	sbr.rel @!p2 .LBB2_9-.Ltmp6, $4  }
0xa7: {  	_ = 	snop  }
0xa8: {  	_ =	swait.ge [sflag:s29], $0x8000  }
0xa9: {  	[sflag:s29] =	ssyncset.done $0x0  }
0xaa: {  	[sflag:s29] =	ssyncadd.s32 $0xFFFF8000  }
0xab: {  	s7 =	sadd.s32 $0xFFFFFFC0, s16  }
0xac: {  	[tilespmem:s2], [sflag:$0x3] =	stream.linear.gather [hbm4b:s7+s2], $0x200, $0x38;
	[tilespmem:$0x1D000] =	vst v63  }
0xad: {  	s7 =	sadd.s32 $0xFFFFFFC0, s17  }
0xae: {  	[tilespmem:s20], [sflag:$0x3] =	stream.linear.gather [hbm4b:s7+s2], $0x200, $0x38;
	[tilespmem:$0x1D000] =	vst v63  }
0xaf: {  	_ =	swait.ge [sflag:s30], $0x8000  }
0xb0: {  	[sflag:s30] =	ssyncset.done $0x0  }
0xb1: {  	[sflag:s30] =	ssyncadd.s32 $0xFFFF8000  }
0xb2: {  	[spmem:s1] =	stream.indirect.scatter.add.f32 [tilespmem:s26], [sflag:$0x6], $0x40, s22, s21, $0xb8;
	[tilespmem:$0x1D000] =	vst v63  }
0xb3: {  	_ =	swait.ge [sflag:s0], $0x200  }
0xb4: {  	[sflag:s0] =	ssyncset.done $0x0  }
.Ltmp7:
0xb5: {  	[sflag:s0] =	ssyncadd.s32 $0xFFFFFE00;
	(pc) =	sbr.rel @p1 .LBB2_10-.Ltmp7, $4  }
.Ltmp8:
0xb6: {  	_ =	swait.ge [sflag:s0], $0x200;
	(pc) =	sbr.rel @!p1 .LBB2_13-.Ltmp8, $4  }
0xb7: {  	[sflag:s0] =	ssyncset.done $0x0  }
0xb8: {  	[sflag:s0] =	ssyncadd.s32 $0xFFFFFE00  }
0xb9: {  	[tilespmem:s18], [sflag:$0x1] =	stream.indirect.gather [hbm4b:s13+s21], $0x40, s2, s21, $0xb8;
	[tilespmem:$0x1D000] =	vst v63  }
0xba: {  	_ = 	snop  }
.LBB2_9:
.Ltmp9:
0xbb: {  	(pc) =	sbr.rel @!p1 .LBB2_15-.Ltmp9, $4  }
0xbc: {  	_ =	swait.ge [sflag:s30], $0x8000  }
0xbd: {  	[sflag:s30] =	ssyncset.done $0x0  }
0xbe: {  	[sflag:s30] =	ssyncadd.s32 $0xFFFF8000  }
0xbf: {  	[spmem:s1] =	stream.indirect.scatter.add.f32 [tilespmem:s26], [sflag:$0x6], $0x40, s22, s21, $0xb8;
	[tilespmem:$0x1D000] =	vst v63  }
.LBB2_10:
0xc0: {  	v2 =	vld [tilespmem:$0x600];
	_ =	sdelay $0x7  }
0xc1: {  	[tilespmem:v2+s28+$0x0] =	vst.idx.add.f32.msk $0xffff, v1  }
0xc2: {  	v2 =	vld [tilespmem:$0x610];
	_ =	sdelay $0x7  }
0xc3: {  	[tilespmem:v2+s28+$0x0] =	vst.idx.add.f32.msk $0xffff, v1  }
0xc4: {  	v2 =	vld [tilespmem:$0x620];
	_ =	sdelay $0x7  }
0xc5: {  	[tilespmem:v2+s28+$0x0] =	vst.idx.add.f32.msk $0xffff, v1  }
0xc6: {  	v2 =	vld [tilespmem:$0x630];
	_ =	sdelay $0x7  }
0xc7: {  	[tilespmem:v2+s28+$0x0] =	vst.idx.add.f32.msk $0xffff, v1  }
0xc8: {  	v2 =	vld [tilespmem:$0x640];
	_ =	sdelay $0x7  }
0xc9: {  	[tilespmem:v2+s28+$0x0] =	vst.idx.add.f32.msk $0xffff, v1  }
0xca: {  	v2 =	vld [tilespmem:$0x650];
	_ =	sdelay $0x7  }
0xcb: {  	[tilespmem:v2+s28+$0x0] =	vst.idx.add.f32.msk $0xffff, v1  }
0xcc: {  	v2 =	vld [tilespmem:$0x660];
	_ =	sdelay $0x7  }
0xcd: {  	[tilespmem:v2+s28+$0x0] =	vst.idx.add.f32.msk $0xffff, v1  }
0xce: {  	v2 =	vld [tilespmem:$0x670];
	_ =	sdelay $0x7  }
0xcf: {  	[tilespmem:v2+s28+$0x0] =	vst.idx.add.f32.msk $0xffff, v1  }
0xd0: {  	v2 =	vld [tilespmem:$0x680];
	_ =	sdelay $0x7  }
0xd1: {  	[tilespmem:v2+s28+$0x0] =	vst.idx.add.f32.msk $0xffff, v1  }
0xd2: {  	v2 =	vld [tilespmem:$0x690];
	_ =	sdelay $0x7  }
0xd3: {  	[tilespmem:v2+s28+$0x0] =	vst.idx.add.f32.msk $0xffff, v1  }
0xd4: {  	v2 =	vld [tilespmem:$0x6A0];
	_ =	sdelay $0x7  }
0xd5: {  	[tilespmem:v2+s28+$0x0] =	vst.idx.add.f32.msk $0xffff, v1  }
0xd6: {  	v2 =	vld [tilespmem:$0x6B0];
	_ =	sdelay $0x7  }
0xd7: {  	[tilespmem:v2+s28+$0x0] =	vst.idx.add.f32.msk $0xffff, v1  }
0xd8: {  	v2 =	vld [tilespmem:$0x6C0];
	_ =	sdelay $0x7  }
0xd9: {  	[tilespmem:v2+s28+$0x0] =	vst.idx.add.f32.msk $0xffff, v1  }
0xda: {  	v2 =	vld [tilespmem:$0x6D0];
	_ =	sdelay $0x7  }
0xdb: {  	[tilespmem:v2+s28+$0x0] =	vst.idx.add.f32.msk $0xffff, v1  }
0xdc: {  	v2 =	vld [tilespmem:$0x6E0];
	_ =	sdelay $0x7  }
0xdd: {  	[tilespmem:v2+s28+$0x0] =	vst.idx.add.f32.msk $0xffff, v1  }
0xde: {  	v2 =	vld [tilespmem:$0x6F0];
	_ =	sdelay $0x7  }
0xdf: {  	[tilespmem:v2+s28+$0x0] =	vst.idx.add.f32.msk $0xffff, v1  }
0xe0: {  	v2 =	vld [tilespmem:$0x700];
	_ =	sdelay $0x7  }
0xe1: {  	[tilespmem:v2+s28+$0x0] =	vst.idx.add.f32.msk $0xffff, v1  }
0xe2: {  	v2 =	vld [tilespmem:$0x710];
	_ =	sdelay $0x7  }
0xe3: {  	[tilespmem:v2+s28+$0x0] =	vst.idx.add.f32.msk $0xffff, v1  }
0xe4: {  	v2 =	vld [tilespmem:$0x720];
	_ =	sdelay $0x7  }
0xe5: {  	[tilespmem:v2+s28+$0x0] =	vst.idx.add.f32.msk $0xffff, v1  }
0xe6: {  	v2 =	vld [tilespmem:$0x730];
	_ =	sdelay $0x7  }
0xe7: {  	[tilespmem:v2+s28+$0x0] =	vst.idx.add.f32.msk $0xffff, v1  }
0xe8: {  	v2 =	vld [tilespmem:$0x740];
	_ =	sdelay $0x7  }
0xe9: {  	[tilespmem:v2+s28+$0x0] =	vst.idx.add.f32.msk $0xffff, v1  }
0xea: {  	v2 =	vld [tilespmem:$0x750];
	_ =	sdelay $0x7  }
0xeb: {  	[tilespmem:v2+s28+$0x0] =	vst.idx.add.f32.msk $0xffff, v1  }
0xec: {  	v2 =	vld [tilespmem:$0x760];
	_ =	sdelay $0x7  }
0xed: {  	[tilespmem:v2+s28+$0x0] =	vst.idx.add.f32.msk $0xffff, v1  }
0xee: {  	v2 =	vld [tilespmem:$0x770];
	_ =	sdelay $0x7  }
0xef: {  	[tilespmem:v2+s28+$0x0] =	vst.idx.add.f32.msk $0xffff, v1  }
0xf0: {  	v2 =	vld [tilespmem:$0x780];
	_ =	sdelay $0x7  }
0xf1: {  	[tilespmem:v2+s28+$0x0] =	vst.idx.add.f32.msk $0xffff, v1  }
0xf2: {  	v2 =	vld [tilespmem:$0x790];
	_ =	sdelay $0x7  }
0xf3: {  	[tilespmem:v2+s28+$0x0] =	vst.idx.add.f32.msk $0xffff, v1  }
0xf4: {  	v2 =	vld [tilespmem:$0x7A0];
	_ =	sdelay $0x7  }
0xf5: {  	[tilespmem:v2+s28+$0x0] =	vst.idx.add.f32.msk $0xffff, v1  }
0xf6: {  	v2 =	vld [tilespmem:$0x7B0];
	_ =	sdelay $0x7  }
0xf7: {  	[tilespmem:v2+s28+$0x0] =	vst.idx.add.f32.msk $0xffff, v1  }
0xf8: {  	v2 =	vld [tilespmem:$0x7C0];
	_ =	sdelay $0x7  }
0xf9: {  	[tilespmem:v2+s28+$0x0] =	vst.idx.add.f32.msk $0xffff, v1  }
0xfa: {  	v2 =	vld [tilespmem:$0x7D0];
	_ =	sdelay $0x7  }
0xfb: {  	[tilespmem:v2+s28+$0x0] =	vst.idx.add.f32.msk $0xffff, v1  }
0xfc: {  	v2 =	vld [tilespmem:$0x7E0];
	_ =	sdelay $0x7  }
0xfd: {  	[tilespmem:v2+s28+$0x0] =	vst.idx.add.f32.msk $0xffff, v1  }
0xfe: {  	v2 =	vld [tilespmem:$0x7F0];
	_ =	sdelay $0x5  }
0xff: {  	p2 =	seq.s32 s14, $0x0  }
.Ltmp10:
0x100: {  	_ = 	snop;
	(pc) =	sbr.rel @!p2 .LBB2_14-.Ltmp10, $4  }
0x101: {  	[tilespmem:v2+s28+$0x0] =	vst.idx.add.f32.msk $0xffff, v1  }
0x102: {  	_ =	swait.ge [sflag:s31], $0x8000  }
0x103: {  	[sflag:s31] =	ssyncset.done $0x0  }
0x104: {  	[sflag:s31] =	ssyncadd.s32 $0xFFFF8000  }
.Ltmp11:
0x105: {  	s7 =	rddreg [dreg:$0x7];
	(pc) =	sbr.rel .LBB2_16-.Ltmp11, $4  }
0x106: {  	[hbm4b:s7+s2] =	stream.linear.scatter [tilespmem:s28], [sflag:$0x7], $0x2800, $0x38;
	[tilespmem:$0x1D000] =	vst v63  }
0x107: {  	_ =	swait.ge [sflag:s19], $0x2800  }
0x108: {  	[sflag:s19] =	ssyncset.done $0x0  }
0x109: {  	[sflag:s19] =	ssyncadd.s32 $0xFFFFD800  }
.LBB2_17:
0x10a: {  	_ =	sfence.sel $0x180000  }
0x10b: {  	[bflag:$0x0] =	sbarrier.arrive $0xFFFF  }
0x10c: {  	_ =	strace $0x90000047  }
0x10d: {  	s0 =	stileid.u32;
	[bflag:$0x2] =	sbarrier.arrive $0xFFFF  }
0x10e: {  	p0 =	sne.s32 s0, $0x0;
	s0 =	rddreg [dreg:$0x3]  }
0x10f: {  	s0 =	sadd.s32 @!p0 $0x100000, s0  }
0x110: {  	[sflag:s0] =	ssyncadd.tile.s32 @!p0 $0x1;
	_ =	shalt  }
.Lfunc_end2:
_tile_overlayer_lowered:
.L_overlay_start_2:
0x111: {  	(tag) =	ssettag $0x2  }
0x112: {  	s0 =	rddreg [dreg:$0x0];
	s2 =	stileid.u32  }
0x113: {  	s1 =	rddreg [dreg:$0x1];
	p0 =	sne.s32 s2, $0x0  }
0x114: {  	s3 =	rddreg [dreg:$0x2];
	[bflag:$0x3] =	sbarrier.arrive $0xFFFF;
	s2 =	simm.s32 @!p0 $0x1C07  }
0x115: {  	[timem:s3], [sflag:s2] =	dma.local @!p0 [hbm:s0], s1  }
0x116: {  	s0 =	simm.s32 @!p0 $0x7  }
0x117: {  	_ =	swait.ge @!p0 [sflag:s0], s1  }
0x118: {  	s1 =	ssub.s32 @!p0 $0x0, s1;
	[sflag:s0] =	ssyncset.done @!p0 $0x0  }
0x119: {  	[sflag:s0] =	ssyncadd.s32 @!p0 s1  }
0x11a: {  	[bflag:$0x3] =	sbarrier.arrive $0xFFFF  }
0x11b: {  	_ =	shalt  }

</sc_bundles>
